<compile_context>
chip_gen: v7x
topology: tpu7x:2x2x1
jax: 0.10.2.dev20260603
libtpu: 0.0.44.dev20260713+nightly
codegen_flags: <defaults>
</compile_context>

<pallas_src>
import functools

import jax
import jax.numpy as jnp
from jax import lax
from jax.experimental import pallas as pl
from jax.experimental.pallas import tpu as pltpu
from jax.experimental.pallas import tpu_sc as plsc

N_N = 10000
N_E = 320000
D = 128
NC = 2
NS = 16
NW = NC * NS
EPW = N_E // NW
K = 80
CHUNKS = EPW // K
RPT = 624
TAIL = N_N - NS * RPT
NR = 3
NI = 6


def _sc_aggregate_body(src_hbm, dst_hbm, x_hbm, zeros_hbm,
                       psum_hbm, cnt_hbm,
                       acc_sh, cnt_v, svs, dvs, rbufs,
                       isems, gsems, csems):
    c = lax.axis_index("c")
    s = lax.axis_index("s")
    wid = c * NS + s

    pltpu.sync_copy(zeros_hbm.at[pl.ds(s * RPT, RPT)],
                    acc_sh.at[pl.ds(s * RPT, RPT)])

    @pl.when(s == NS - 1)
    def _():
        pltpu.sync_copy(zeros_hbm.at[pl.ds(NS * RPT, TAIL)],
                        acc_sh.at[pl.ds(NS * RPT, TAIL)])

    zc = jnp.zeros((16,), jnp.int32)

    def zbody(i, carry):
        cnt_v[0, pl.ds(i * 16, 16)] = zc
        return carry

    lax.fori_loop(0, N_N // 16, zbody, 0)
    plsc.subcore_barrier()

    def idxdma(i, j):
        pltpu.async_copy(src_hbm.at[wid, i], svs[j], isems[j])
        pltpu.async_copy(dst_hbm.at[wid, i], dvs[j], isems[j])

    def iwait(j):
        pltpu.make_async_copy(src_hbm.at[wid, 0], svs[j], isems[j]).wait()
        pltpu.make_async_copy(dst_hbm.at[wid, 0], dvs[j], isems[j]).wait()

    def gather(j, b):
        pltpu.async_copy(x_hbm.at[svs[j]], rbufs[b], gsems[b])

    def gwait(b):
        pltpu.make_async_copy(x_hbm.at[svs[0]], rbufs[b], gsems[b]).wait()

    def scatter(j, b):
        pltpu.async_copy(rbufs[b], acc_sh.at[dvs[j]], csems[b], add=True)

    def scwait(b):
        pltpu.make_async_copy(rbufs[b], acc_sh.at[dvs[0]], csems[b]).wait()

    def counts(j):
        zrow = jnp.zeros((16,), jnp.int32)
        for q in range(K // 16):
            idx16 = dvs[j][pl.ds(q * 16, 16)]
            cnts, last = plsc.scan_count(idx16)
            plsc.addupdate_scatter(cnt_v, [zrow, idx16], cnts, mask=last)

    idxdma(0, 0)
    idxdma(1, 1)
    idxdma(2, 2)
    iwait(0)
    gather(0, 0)
    iwait(1)
    gather(1, 1)

    @pl.loop(0, CHUNKS + NI - 1, step=NI)
    def _(t):
        for k in range(NI):
            b = k % NR
            bp = (b + 2) % NR
            j = k
            jn = (k + 3) % NI
            jg = (k + 2) % NI
            i = t + k

            @pl.when(i < CHUNKS)
            def _():
                gwait(b)
                scatter(j, b)
                counts(j)

                @pl.when(i >= 1)
                def _():
                    scwait(bp)

                @pl.when(i + 3 < CHUNKS)
                def _():
                    idxdma(i + 3, jn)

                @pl.when(i + 2 < CHUNKS)
                def _():
                    iwait(jg)
                    gather(jg, bp)

    scwait((CHUNKS - 1) % NR)

    plsc.subcore_barrier()
    pltpu.sync_copy(acc_sh.at[pl.ds(s * RPT, RPT)],
                    psum_hbm.at[c, pl.ds(s * RPT, RPT)])

    @pl.when(s == NS - 1)
    def _():
        pltpu.sync_copy(acc_sh.at[pl.ds(NS * RPT, TAIL)],
                        psum_hbm.at[c, pl.ds(NS * RPT, TAIL)])

    pltpu.sync_copy(cnt_v, cnt_hbm.at[wid])


@functools.cache
def _sc_aggregate():
    return pl.kernel(
        _sc_aggregate_body,
        out_type=(
            jax.ShapeDtypeStruct((NC, N_N, D), jnp.float32),
            jax.ShapeDtypeStruct((NW, 1, N_N), jnp.int32),
        ),
        mesh=plsc.VectorSubcoreMesh(core_axis_name="c", subcore_axis_name="s"),
        compiler_params=pltpu.CompilerParams(needs_layout_passes=False),
        scratch_types=[
            pltpu.VMEM_SHARED((N_N, D), jnp.float32),
            pltpu.VMEM((1, N_N), jnp.int32),
            tuple(pltpu.VMEM((K,), jnp.int32) for _ in range(NI)),
            tuple(pltpu.VMEM((K,), jnp.int32) for _ in range(NI)),
            tuple(pltpu.VMEM((K, D), jnp.float32) for _ in range(NR)),
            tuple(pltpu.SemaphoreType.DMA for _ in range(NI)),
            tuple(pltpu.SemaphoreType.DMA for _ in range(NR)),
            tuple(pltpu.SemaphoreType.DMA for _ in range(NR)),
        ],
    )


_R = 1000


def _tc_head_body(psum_ref, cnt_ref, x_ref, wl_ref, bl_ref, wr_ref,
                  w1_ref, b1_ref, w2_ref, b2_ref, out_ref):
    summed = psum_ref[0] + psum_ref[1]
    cnt = jnp.sum(cnt_ref[...].astype(jnp.float32), axis=1)
    agg = summed / jnp.maximum(cnt, 1.0)[:, None]
    dn = (((1,), (1,)), ((), ()))
    h = (lax.dot_general(agg, wl_ref[...], dn, preferred_element_type=jnp.float32)
         + lax.dot_general(x_ref[...], wr_ref[...], dn, preferred_element_type=jnp.float32)
         + bl_ref[...][None, :])
    h = jnp.maximum(h, 0.0)
    g = lax.dot_general(h, w1_ref[...], dn, preferred_element_type=jnp.float32)
    g = g + b1_ref[...][None, :]
    g = 0.5 * g * (1.0 + lax.erf(g * 0.7071067811865476))
    o = lax.dot_general(g, w2_ref[...], dn, preferred_element_type=jnp.float32)
    o = o[:, 0:1] + b2_ref[0]
    out_ref[...] = jnp.maximum(o, 0.0)


def _tc_head(psum, cntT, x, W_l, b_l, W_r, W1, b1, W2, b2):
    return pl.pallas_call(
        _tc_head_body,
        grid=(N_N // _R,),
        in_specs=[
            pl.BlockSpec((NC, _R, D), lambda i: (0, i, 0)),
            pl.BlockSpec((_R, NW), lambda i: (i, 0)),
            pl.BlockSpec((_R, D), lambda i: (i, 0)),
            pl.BlockSpec((D, D), lambda i: (0, 0)),
            pl.BlockSpec((D,), lambda i: (0,)),
            pl.BlockSpec((D, D), lambda i: (0, 0)),
            pl.BlockSpec((16, D), lambda i: (0, 0)),
            pl.BlockSpec((16,), lambda i: (0,)),
            pl.BlockSpec((8, 16), lambda i: (0, 0)),
            pl.BlockSpec((1,), lambda i: (0,)),
        ],
        out_specs=pl.BlockSpec((_R, 1), lambda i: (i, 0)),
        out_shape=jax.ShapeDtypeStruct((N_N, 1), jnp.float32),
    )(psum, cntT, x, W_l, b_l, W_r, W1, b1, W2, b2)


def kernel(x, edge_index, W_l, b_l, W_r, W1, b1, W2, b2):
    src = edge_index[0].astype(jnp.int32).reshape(NW, CHUNKS, K)
    dst = edge_index[1].astype(jnp.int32).reshape(NW, CHUNKS, K)
    zeros = jnp.zeros((N_N, D), jnp.float32)
    psum, cnt = _sc_aggregate()(src, dst, x, zeros)
    cntT = cnt.reshape(NW, N_N).T
    W2p = jnp.zeros((8, 16), jnp.float32).at[0].set(W2[0])
    out = _tc_head(psum, cntT, x, W_l, b_l, W_r, W1, b1, W2p, b2)
    return out[:, 0]

# --- scband reference (transcript-rebuilt; emitter-appended) ---
"""Pipeline reference for scband-graph-sage-46462956208530 (READ-ONLY COPY).

The authoritative reference and input builder live on the scoring server;
editing this copy changes nothing except your own understanding.
"""

import jax, jax.numpy as jnp
import numpy as np

N_NODES = 10000
N_EDGES = 320000
D_IN = 128
D_OUT = 128


def setup_inputs(seed: int = 0) -> dict:
    key = jax.random.key(seed)
    ks = jax.random.split(key, 10)
    x = jax.random.normal(ks[0], (N_NODES, D_IN), dtype=jnp.float32)
    edge_index = jax.random.randint(ks[1], (2, N_EDGES), 0, N_NODES, dtype=jnp.int64)
    # SAGEConv params (PyG semantics: out = lin_l(mean_aggr(x_j)) + lin_r(x); lin_l has bias, lin_r no bias)
    s1 = 1.0 / np.sqrt(D_IN)
    W_l = jax.random.uniform(ks[2], (D_OUT, D_IN), dtype=jnp.float32, minval=-s1, maxval=s1)
    b_l = jax.random.uniform(ks[3], (D_OUT,), dtype=jnp.float32, minval=-s1, maxval=s1)
    W_r = jax.random.uniform(ks[4], (D_OUT, D_IN), dtype=jnp.float32, minval=-s1, maxval=s1)
    s2 = 1.0 / np.sqrt(D_OUT)
    W1 = jax.random.uniform(ks[5], (16, D_OUT), dtype=jnp.float32, minval=-s2, maxval=s2)
    b1 = jax.random.uniform(ks[6], (16,), dtype=jnp.float32, minval=-s2, maxval=s2)
    s3 = 1.0 / np.sqrt(16)
    W2 = jax.random.uniform(ks[7], (1, 16), dtype=jnp.float32, minval=-s3, maxval=s3)
    b2 = jax.random.uniform(ks[8], (1,), dtype=jnp.float32, minval=-s3, maxval=s3)
    return {"x": x, "edge_index": edge_index, "W_l": W_l, "b_l": b_l, "W_r": W_r, "W1": W1, "b1": b1, "W2": W2, "b2": b2}


def reference(x, edge_index, W_l, b_l, W_r, W1, b1, W2, b2):
    src = edge_index[0]
    dst = edge_index[1]
    # mean aggregation of source features at destination nodes
    msg = jnp.take(x, src, axis=0)
    summed = jax.ops.segment_sum(msg, dst, num_segments=N_NODES)
    cnt = jax.ops.segment_sum(jnp.ones((N_EDGES,), dtype=jnp.float32), dst, num_segments=N_NODES)
    agg = summed / jnp.clip(cnt, 1.0, None)[:, None]
    # SAGEConv linear transform
    h = agg @ W_l.T + b_l + x @ W_r.T
    h = jax.nn.relu(h)
    # MLP head: Linear(D_OUT,16) -> GELU (exact) -> Linear(16,1)
    h = h @ W1.T + b1
    h = jax.nn.gelu(h, approximate=False)
    h = h @ W2.T + b2
    h = jax.nn.relu(h)
    return h.squeeze(-1)

if __name__ == "__main__":
    import jax
    _d = setup_inputs()
    print(jax.jit(kernel)(*tuple(_d.values())))

</pallas_src>

<mosaic_0001>
#map = affine_map<(d0, d1) -> (0, 0, 0)>
#map1 = affine_map<(d0, d1) -> (0, 0)>
module attributes {stable_mosaic.version = 14 : i64} {
  func.func @_sc_aggregate_body(%arg0: i32, %arg1: i32, %arg2: memref<32x125x80xi32, #tpu.memory_space<hbm>>, %arg3: memref<32x125x80xi32, #tpu.memory_space<hbm>>, %arg4: memref<10000x128xf32, #tpu.memory_space<hbm>>, %arg5: memref<10000x128xf32, #tpu.memory_space<hbm>>, %arg6: memref<2x10000x128xf32, #tpu.memory_space<hbm>>, %arg7: memref<32x1x10000xi32, #tpu.memory_space<hbm>>, %arg8: memref<10000x128xf32, #tpu.memory_space<vmem_shared>>, %arg9: memref<1x10000xi32, #tpu.memory_space<vmem>>, %arg10: memref<80xi32, #tpu.memory_space<vmem>>, %arg11: memref<80xi32, #tpu.memory_space<vmem>>, %arg12: memref<80xi32, #tpu.memory_space<vmem>>, %arg13: memref<80xi32, #tpu.memory_space<vmem>>, %arg14: memref<80xi32, #tpu.memory_space<vmem>>, %arg15: memref<80xi32, #tpu.memory_space<vmem>>, %arg16: memref<80xi32, #tpu.memory_space<vmem>>, %arg17: memref<80xi32, #tpu.memory_space<vmem>>, %arg18: memref<80xi32, #tpu.memory_space<vmem>>, %arg19: memref<80xi32, #tpu.memory_space<vmem>>, %arg20: memref<80xi32, #tpu.memory_space<vmem>>, %arg21: memref<80xi32, #tpu.memory_space<vmem>>, %arg22: memref<80x128xf32, #tpu.memory_space<vmem>>, %arg23: memref<80x128xf32, #tpu.memory_space<vmem>>, %arg24: memref<80x128xf32, #tpu.memory_space<vmem>>, %arg25: memref<!tpu.dma_semaphore, #tpu.memory_space<semaphore_mem>>, %arg26: memref<!tpu.dma_semaphore, #tpu.memory_space<semaphore_mem>>, %arg27: memref<!tpu.dma_semaphore, #tpu.memory_space<semaphore_mem>>, %arg28: memref<!tpu.dma_semaphore, #tpu.memory_space<semaphore_mem>>, %arg29: memref<!tpu.dma_semaphore, #tpu.memory_space<semaphore_mem>>, %arg30: memref<!tpu.dma_semaphore, #tpu.memory_space<semaphore_mem>>, %arg31: memref<!tpu.dma_semaphore, #tpu.memory_space<semaphore_mem>>, %arg32: memref<!tpu.dma_semaphore, #tpu.memory_space<semaphore_mem>>, %arg33: memref<!tpu.dma_semaphore, #tpu.memory_space<semaphore_mem>>, %arg34: memref<!tpu.dma_semaphore, #tpu.memory_space<semaphore_mem>>, %arg35: memref<!tpu.dma_semaphore, #tpu.memory_space<semaphore_mem>>, %arg36: memref<!tpu.dma_semaphore, #tpu.memory_space<semaphore_mem>>) attributes {dimension_semantics = [#tpu.dimension_semantics<core_parallel>, #tpu.dimension_semantics<subcore_parallel>], iteration_bounds = array<i64: 2, 16>, scalar_prefetch = 0 : i64, scratch_operands = 29 : i64, tpu.core_type = #tpu.core_type<sc_vector_subcore>, window_params = [{transform_indices = #map}, {transform_indices = #map}, {transform_indices = #map1}, {transform_indices = #map1}, {transform_indices = #map}, {transform_indices = #map}]} {
    %mul3A = arith.constant 16 : i32
    %mul3A_0 = arith.muli %arg0, %mul3A : i32
    %add3A = arith.addi %mul3A_0, %arg1 : i32
    %mul3A_1 = arith.constant 624 : i32
    %mul3A_2 = arith.muli %arg1, %mul3A_1 : i32
    %mul3A_3 = arith.constant 624 : i32
    %mul3A_4 = arith.muli %arg1, %mul3A_3 : i32
    "tpu.region"() ({
      %run_scoped3A = tpu.sem_alloc : memref<!tpu.dma_semaphore, #tpu.memory_space<semaphore_mem>>
      %dma_start3A_105 = arith.constant 0 : i32
      %dma_start3A_106 = tpu.memref_slice %arg8[%mul3A_4, %dma_start3A_105] : memref<10000x128xf32, #tpu.memory_space<vmem_shared>> -> memref<624x128xf32, #tpu.memory_space<vmem_shared>>
      %dma_start3A_107 = arith.constant 0 : i32
      %dma_start3A_108 = tpu.memref_slice %arg5[%mul3A_2, %dma_start3A_107] : memref<10000x128xf32, #tpu.memory_space<hbm>> -> memref<624x128xf32, #tpu.memory_space<hbm>>
      tpu.enqueue_dma source(%dma_start3A_108 : memref<624x128xf32, #tpu.memory_space<hbm>>) target(%dma_start3A_106 : memref<624x128xf32, #tpu.memory_space<vmem_shared>>) target_semaphore(%run_scoped3A : memref<!tpu.dma_semaphore, #tpu.memory_space<semaphore_mem>>)
      %dma_wait3A_109 = arith.constant 0 : i32
      %dma_wait3A_110 = tpu.memref_slice %arg8[%mul3A_4, %dma_wait3A_109] : memref<10000x128xf32, #tpu.memory_space<vmem_shared>> -> memref<624x128xf32, #tpu.memory_space<vmem_shared>>
      %dma_wait3A_111 = arith.constant 0 : i32
      %dma_wait3A_112 = tpu.memref_slice %arg5[%mul3A_2, %dma_wait3A_111] : memref<10000x128xf32, #tpu.memory_space<hbm>> -> memref<624x128xf32, #tpu.memory_space<hbm>>
      tpu.wait_dma2 semaphore(%run_scoped3A : memref<!tpu.dma_semaphore, #tpu.memory_space<semaphore_mem>>) src(%dma_wait3A_112 : memref<624x128xf32, #tpu.memory_space<hbm>>) dst(%dma_wait3A_110 : memref<624x128xf32, #tpu.memory_space<vmem_shared>>)
      tpu.yield
    }) : () -> ()
    %eq3A = arith.constant 15 : i32
    %eq3A_5 = arith.cmpi eq, %arg1, %eq3A : i32
    %convert_element_type3A = arith.extui %eq3A_5 : i1 to i32
    %cond3A = arith.constant 0 : i32
    %cond3A_6 = arith.cmpi ne, %convert_element_type3A, %cond3A : i32
    scf.if %cond3A_6 {
      "tpu.region"() ({
        %run_scoped3A = tpu.sem_alloc : memref<!tpu.dma_semaphore, #tpu.memory_space<semaphore_mem>>
        %dma_start3A_105 = arith.constant 9984 : i32
        %dma_start3A_106 = arith.constant 0 : i32
        %dma_start3A_107 = tpu.memref_slice %arg8[%dma_start3A_105, %dma_start3A_106] : memref<10000x128xf32, #tpu.memory_space<vmem_shared>> -> memref<16x128xf32, #tpu.memory_space<vmem_shared>>
        %dma_start3A_108 = arith.constant 9984 : i32
        %dma_start3A_109 = arith.constant 0 : i32
        %dma_start3A_110 = tpu.memref_slice %arg5[%dma_start3A_108, %dma_start3A_109] : memref<10000x128xf32, #tpu.memory_space<hbm>> -> memref<16x128xf32, #tpu.memory_space<hbm>>
        tpu.enqueue_dma source(%dma_start3A_110 : memref<16x128xf32, #tpu.memory_space<hbm>>) target(%dma_start3A_107 : memref<16x128xf32, #tpu.memory_space<vmem_shared>>) target_semaphore(%run_scoped3A : memref<!tpu.dma_semaphore, #tpu.memory_space<semaphore_mem>>)
        %dma_wait3A_111 = arith.constant 9984 : i32
        %dma_wait3A_112 = arith.constant 0 : i32
        %dma_wait3A_113 = tpu.memref_slice %arg8[%dma_wait3A_111, %dma_wait3A_112] : memref<10000x128xf32, #tpu.memory_space<vmem_shared>> -> memref<16x128xf32, #tpu.memory_space<vmem_shared>>
        %dma_wait3A_114 = arith.constant 9984 : i32
        %dma_wait3A_115 = arith.constant 0 : i32
        %dma_wait3A_116 = tpu.memref_slice %arg5[%dma_wait3A_114, %dma_wait3A_115] : memref<10000x128xf32, #tpu.memory_space<hbm>> -> memref<16x128xf32, #tpu.memory_space<hbm>>
        tpu.wait_dma2 semaphore(%run_scoped3A : memref<!tpu.dma_semaphore, #tpu.memory_space<semaphore_mem>>) src(%dma_wait3A_116 : memref<16x128xf32, #tpu.memory_space<hbm>>) dst(%dma_wait3A_113 : memref<16x128xf32, #tpu.memory_space<vmem_shared>>)
        tpu.yield
      }) : () -> ()
    } else {
    }
    %broadcast_in_dim3A = arith.constant 0 : i32
    %broadcast_in_dim3A_7 = vector.broadcast %broadcast_in_dim3A : i32 to vector<16xi32>
    %scan3A = arith.constant 0 : i32
    %scan3A_8 = arith.constant 0 : i32
    %scan3A_9 = arith.constant 625 : i32
    %scan3A_10 = arith.addi %scan3A_8, %scan3A_9 : i32
    %scan3A_11 = arith.constant 1 : i32
    scf.for %scan3A_105 = %scan3A_8 to %scan3A_10 step %scan3A_11  : i32 {
      %mul3A_106 = arith.constant 16 : i32
      %mul3A_107 = arith.muli %scan3A_105, %mul3A_106 : i32
      %swap3A = arith.constant 0 : i32
      %swap3A_108 = arith.index_cast %swap3A : i32 to index
      %swap3A_109 = arith.index_cast %mul3A_107 : i32 to index
      %swap3A_110 = tpu.vector_load %arg9[%swap3A_108, %swap3A_109] {strides = array<i32>} : memref<1x10000xi32, #tpu.memory_space<vmem>>, vector<16xi32>,
      tpu.vector_store %arg9[%swap3A_108, %swap3A_109], %broadcast_in_dim3A_7 {strides = array<i32>} : memref<1x10000xi32, #tpu.memory_space<vmem>>, vector<16xi32>,
    }
    %scan3A_12 = arith.constant 625 : i32
    %barrier3A = arith.constant 0 : index
    tpu.barrier barrier_id(%barrier3A)
    %dma_start3A = arith.constant 0 : i32
    %dma_start3A_13 = arith.constant 0 : i32
    %dma_start3A_14 = tpu.memref_slice %arg2[%add3A, %dma_start3A, %dma_start3A_13] : memref<32x125x80xi32, #tpu.memory_space<hbm>> -> memref<1x1x80xi32, #tpu.memory_space<hbm>>
    %dma_start3A_15 = tpu.memref_squeeze %dma_start3A_14 : memref<1x1x80xi32, #tpu.memory_space<hbm>> -> memref<80xi32, #tpu.memory_space<hbm>>
    %dma_start3A_16 = arith.constant 0 : i32
    %dma_start3A_17 = tpu.memref_slice %arg2[%add3A, %dma_start3A, %dma_start3A_16] : memref<32x125x80xi32, #tpu.memory_space<hbm>> -> memref<1x1x80xi32, #tpu.memory_space<hbm>>
    %dma_start3A_18 = tpu.memref_squeeze %dma_start3A_17 : memref<1x1x80xi32, #tpu.memory_space<hbm>> -> memref<80xi32, #tpu.memory_space<hbm>>
    tpu.enqueue_dma source(%dma_start3A_18 : memref<80xi32, #tpu.memory_space<hbm>>) target(%arg10 : memref<80xi32, #tpu.memory_space<vmem>>) target_semaphore(%arg25 : memref<!tpu.dma_semaphore, #tpu.memory_space<semaphore_mem>>)
    %dma_start3A_19 = arith.constant 0 : i32
    %dma_start3A_20 = arith.constant 0 : i32
    %dma_start3A_21 = tpu.memref_slice %arg3[%add3A, %dma_start3A_19, %dma_start3A_20] : memref<32x125x80xi32, #tpu.memory_space<hbm>> -> memref<1x1x80xi32, #tpu.memory_space<hbm>>
    %dma_start3A_22 = tpu.memref_squeeze %dma_start3A_21 : memref<1x1x80xi32, #tpu.memory_space<hbm>> -> memref<80xi32, #tpu.memory_space<hbm>>
    %dma_start3A_23 = arith.constant 0 : i32
    %dma_start3A_24 = tpu.memref_slice %arg3[%add3A, %dma_start3A_19, %dma_start3A_23] : memref<32x125x80xi32, #tpu.memory_space<hbm>> -> memref<1x1x80xi32, #tpu.memory_space<hbm>>
    %dma_start3A_25 = tpu.memref_squeeze %dma_start3A_24 : memref<1x1x80xi32, #tpu.memory_space<hbm>> -> memref<80xi32, #tpu.memory_space<hbm>>
    tpu.enqueue_dma source(%dma_start3A_25 : memref<80xi32, #tpu.memory_space<hbm>>) target(%arg16 : memref<80xi32, #tpu.memory_space<vmem>>) target_semaphore(%arg25 : memref<!tpu.dma_semaphore, #tpu.memory_space<semaphore_mem>>)
    %dma_start3A_26 = arith.constant 1 : i32
    %dma_start3A_27 = arith.constant 0 : i32
    %dma_start3A_28 = tpu.memref_slice %arg2[%add3A, %dma_start3A_26, %dma_start3A_27] : memref<32x125x80xi32, #tpu.memory_space<hbm>> -> memref<1x1x80xi32, #tpu.memory_space<hbm>>
    %dma_start3A_29 = tpu.memref_squeeze %dma_start3A_28 : memref<1x1x80xi32, #tpu.memory_space<hbm>> -> memref<80xi32, #tpu.memory_space<hbm>>
    %dma_start3A_30 = arith.constant 0 : i32
    %dma_start3A_31 = tpu.memref_slice %arg2[%add3A, %dma_start3A_26, %dma_start3A_30] : memref<32x125x80xi32, #tpu.memory_space<hbm>> -> memref<1x1x80xi32, #tpu.memory_space<hbm>>
    %dma_start3A_32 = tpu.memref_squeeze %dma_start3A_31 : memref<1x1x80xi32, #tpu.memory_space<hbm>> -> memref<80xi32, #tpu.memory_space<hbm>>
    tpu.enqueue_dma source(%dma_start3A_32 : memref<80xi32, #tpu.memory_space<hbm>>) target(%arg11 : memref<80xi32, #tpu.memory_space<vmem>>) target_semaphore(%arg26 : memref<!tpu.dma_semaphore, #tpu.memory_space<semaphore_mem>>)
    %dma_start3A_33 = arith.constant 1 : i32
    %dma_start3A_34 = arith.constant 0 : i32
    %dma_start3A_35 = tpu.memref_slice %arg3[%add3A, %dma_start3A_33, %dma_start3A_34] : memref<32x125x80xi32, #tpu.memory_space<hbm>> -> memref<1x1x80xi32, #tpu.memory_space<hbm>>
    %dma_start3A_36 = tpu.memref_squeeze %dma_start3A_35 : memref<1x1x80xi32, #tpu.memory_space<hbm>> -> memref<80xi32, #tpu.memory_space<hbm>>
    %dma_start3A_37 = arith.constant 0 : i32
    %dma_start3A_38 = tpu.memref_slice %arg3[%add3A, %dma_start3A_33, %dma_start3A_37] : memref<32x125x80xi32, #tpu.memory_space<hbm>> -> memref<1x1x80xi32, #tpu.memory_space<hbm>>
    %dma_start3A_39 = tpu.memref_squeeze %dma_start3A_38 : memref<1x1x80xi32, #tpu.memory_space<hbm>> -> memref<80xi32, #tpu.memory_space<hbm>>
    tpu.enqueue_dma source(%dma_start3A_39 : memref<80xi32, #tpu.memory_space<hbm>>) target(%arg17 : memref<80xi32, #tpu.memory_space<vmem>>) target_semaphore(%arg26 : memref<!tpu.dma_semaphore, #tpu.memory_space<semaphore_mem>>)
    %dma_start3A_40 = arith.constant 2 : i32
    %dma_start3A_41 = arith.constant 0 : i32
    %dma_start3A_42 = tpu.memref_slice %arg2[%add3A, %dma_start3A_40, %dma_start3A_41] : memref<32x125x80xi32, #tpu.memory_space<hbm>> -> memref<1x1x80xi32, #tpu.memory_space<hbm>>
    %dma_start3A_43 = tpu.memref_squeeze %dma_start3A_42 : memref<1x1x80xi32, #tpu.memory_space<hbm>> -> memref<80xi32, #tpu.memory_space<hbm>>
    %dma_start3A_44 = arith.constant 0 : i32
    %dma_start3A_45 = tpu.memref_slice %arg2[%add3A, %dma_start3A_40, %dma_start3A_44] : memref<32x125x80xi32, #tpu.memory_space<hbm>> -> memref<1x1x80xi32, #tpu.memory_space<hbm>>
    %dma_start3A_46 = tpu.memref_squeeze %dma_start3A_45 : memref<1x1x80xi32, #tpu.memory_space<hbm>> -> memref<80xi32, #tpu.memory_space<hbm>>
    tpu.enqueue_dma source(%dma_start3A_46 : memref<80xi32, #tpu.memory_space<hbm>>) target(%arg12 : memref<80xi32, #tpu.memory_space<vmem>>) target_semaphore(%arg27 : memref<!tpu.dma_semaphore, #tpu.memory_space<semaphore_mem>>)
    %dma_start3A_47 = arith.constant 2 : i32
    %dma_start3A_48 = arith.constant 0 : i32
    %dma_start3A_49 = tpu.memref_slice %arg3[%add3A, %dma_start3A_47, %dma_start3A_48] : memref<32x125x80xi32, #tpu.memory_space<hbm>> -> memref<1x1x80xi32, #tpu.memory_space<hbm>>
    %dma_start3A_50 = tpu.memref_squeeze %dma_start3A_49 : memref<1x1x80xi32, #tpu.memory_space<hbm>> -> memref<80xi32, #tpu.memory_space<hbm>>
    %dma_start3A_51 = arith.constant 0 : i32
    %dma_start3A_52 = tpu.memref_slice %arg3[%add3A, %dma_start3A_47, %dma_start3A_51] : memref<32x125x80xi32, #tpu.memory_space<hbm>> -> memref<1x1x80xi32, #tpu.memory_space<hbm>>
    %dma_start3A_53 = tpu.memref_squeeze %dma_start3A_52 : memref<1x1x80xi32, #tpu.memory_space<hbm>> -> memref<80xi32, #tpu.memory_space<hbm>>
    tpu.enqueue_dma source(%dma_start3A_53 : memref<80xi32, #tpu.memory_space<hbm>>) target(%arg18 : memref<80xi32, #tpu.memory_space<vmem>>) target_semaphore(%arg27 : memref<!tpu.dma_semaphore, #tpu.memory_space<semaphore_mem>>)
    %dma_wait3A = arith.constant 0 : i32
    %dma_wait3A_54 = arith.constant 0 : i32
    %dma_wait3A_55 = tpu.memref_slice %arg2[%add3A, %dma_wait3A, %dma_wait3A_54] : memref<32x125x80xi32, #tpu.memory_space<hbm>> -> memref<1x1x80xi32, #tpu.memory_space<hbm>>
    %dma_wait3A_56 = tpu.memref_squeeze %dma_wait3A_55 : memref<1x1x80xi32, #tpu.memory_space<hbm>> -> memref<80xi32, #tpu.memory_space<hbm>>
    %dma_wait3A_57 = arith.constant 0 : i32
    %dma_wait3A_58 = tpu.memref_slice %arg2[%add3A, %dma_wait3A, %dma_wait3A_57] : memref<32x125x80xi32, #tpu.memory_space<hbm>> -> memref<1x1x80xi32, #tpu.memory_space<hbm>>
    %dma_wait3A_59 = tpu.memref_squeeze %dma_wait3A_58 : memref<1x1x80xi32, #tpu.memory_space<hbm>> -> memref<80xi32, #tpu.memory_space<hbm>>
    tpu.wait_dma2 semaphore(%arg25 : memref<!tpu.dma_semaphore, #tpu.memory_space<semaphore_mem>>) src(%dma_wait3A_59 : memref<80xi32, #tpu.memory_space<hbm>>) dst(%arg10 : memref<80xi32, #tpu.memory_space<vmem>>)
    %dma_wait3A_60 = arith.constant 0 : i32
    %dma_wait3A_61 = arith.constant 0 : i32
    %dma_wait3A_62 = tpu.memref_slice %arg3[%add3A, %dma_wait3A_60, %dma_wait3A_61] : memref<32x125x80xi32, #tpu.memory_space<hbm>> -> memref<1x1x80xi32, #tpu.memory_space<hbm>>
    %dma_wait3A_63 = tpu.memref_squeeze %dma_wait3A_62 : memref<1x1x80xi32, #tpu.memory_space<hbm>> -> memref<80xi32, #tpu.memory_space<hbm>>
    %dma_wait3A_64 = arith.constant 0 : i32
    %dma_wait3A_65 = tpu.memref_slice %arg3[%add3A, %dma_wait3A_60, %dma_wait3A_64] : memref<32x125x80xi32, #tpu.memory_space<hbm>> -> memref<1x1x80xi32, #tpu.memory_space<hbm>>
    %dma_wait3A_66 = tpu.memref_squeeze %dma_wait3A_65 : memref<1x1x80xi32, #tpu.memory_space<hbm>> -> memref<80xi32, #tpu.memory_space<hbm>>
    tpu.wait_dma2 semaphore(%arg25 : memref<!tpu.dma_semaphore, #tpu.memory_space<semaphore_mem>>) src(%dma_wait3A_66 : memref<80xi32, #tpu.memory_space<hbm>>) dst(%arg16 : memref<80xi32, #tpu.memory_space<vmem>>)
    %dma_start3A_67 = arith.constant 0 : i32
    %dma_start3A_68 = arith.constant 0 : i32
    %dma_start3A_69 = tpu.memref_slice %arg4[%dma_start3A_67, %dma_start3A_68] : memref<10000x128xf32, #tpu.memory_space<hbm>> -> memref<10000x128xf32, #tpu.memory_space<hbm>>
    tpu.enqueue_indirect_dma source(%dma_start3A_69 : memref<10000x128xf32, #tpu.memory_space<hbm>>) target(%arg22 : memref<80x128xf32, #tpu.memory_space<vmem>>) offsets(%arg10 : memref<80xi32, #tpu.memory_space<vmem>>) semaphore(%arg31 : memref<!tpu.dma_semaphore, #tpu.memory_space<semaphore_mem>>)
    %dma_wait3A_70 = arith.constant 0 : i32
    %dma_wait3A_71 = arith.constant 0 : i32
    %dma_wait3A_72 = tpu.memref_slice %arg2[%add3A, %dma_wait3A_70, %dma_wait3A_71] : memref<32x125x80xi32, #tpu.memory_space<hbm>> -> memref<1x1x80xi32, #tpu.memory_space<hbm>>
    %dma_wait3A_73 = tpu.memref_squeeze %dma_wait3A_72 : memref<1x1x80xi32, #tpu.memory_space<hbm>> -> memref<80xi32, #tpu.memory_space<hbm>>
    %dma_wait3A_74 = arith.constant 0 : i32
    %dma_wait3A_75 = tpu.memref_slice %arg2[%add3A, %dma_wait3A_70, %dma_wait3A_74] : memref<32x125x80xi32, #tpu.memory_space<hbm>> -> memref<1x1x80xi32, #tpu.memory_space<hbm>>
    %dma_wait3A_76 = tpu.memref_squeeze %dma_wait3A_75 : memref<1x1x80xi32, #tpu.memory_space<hbm>> -> memref<80xi32, #tpu.memory_space<hbm>>
    tpu.wait_dma2 semaphore(%arg26 : memref<!tpu.dma_semaphore, #tpu.memory_space<semaphore_mem>>) src(%dma_wait3A_76 : memref<80xi32, #tpu.memory_space<hbm>>) dst(%arg11 : memref<80xi32, #tpu.memory_space<vmem>>)
    %dma_wait3A_77 = arith.constant 0 : i32
    %dma_wait3A_78 = arith.constant 0 : i32
    %dma_wait3A_79 = tpu.memref_slice %arg3[%add3A, %dma_wait3A_77, %dma_wait3A_78] : memref<32x125x80xi32, #tpu.memory_space<hbm>> -> memref<1x1x80xi32, #tpu.memory_space<hbm>>
    %dma_wait3A_80 = tpu.memref_squeeze %dma_wait3A_79 : memref<1x1x80xi32, #tpu.memory_space<hbm>> -> memref<80xi32, #tpu.memory_space<hbm>>
    %dma_wait3A_81 = arith.constant 0 : i32
    %dma_wait3A_82 = tpu.memref_slice %arg3[%add3A, %dma_wait3A_77, %dma_wait3A_81] : memref<32x125x80xi32, #tpu.memory_space<hbm>> -> memref<1x1x80xi32, #tpu.memory_space<hbm>>
    %dma_wait3A_83 = tpu.memref_squeeze %dma_wait3A_82 : memref<1x1x80xi32, #tpu.memory_space<hbm>> -> memref<80xi32, #tpu.memory_space<hbm>>
    tpu.wait_dma2 semaphore(%arg26 : memref<!tpu.dma_semaphore, #tpu.memory_space<semaphore_mem>>) src(%dma_wait3A_83 : memref<80xi32, #tpu.memory_space<hbm>>) dst(%arg17 : memref<80xi32, #tpu.memory_space<vmem>>)
    %dma_start3A_84 = arith.constant 0 : i32
    %dma_start3A_85 = arith.constant 0 : i32
    %dma_start3A_86 = tpu.memref_slice %arg4[%dma_start3A_84, %dma_start3A_85] : memref<10000x128xf32, #tpu.memory_space<hbm>> -> memref<10000x128xf32, #tpu.memory_space<hbm>>
    tpu.enqueue_indirect_dma source(%dma_start3A_86 : memref<10000x128xf32, #tpu.memory_space<hbm>>) target(%arg23 : memref<80x128xf32, #tpu.memory_space<vmem>>) offsets(%arg11 : memref<80xi32, #tpu.memory_space<vmem>>) semaphore(%arg32 : memref<!tpu.dma_semaphore, #tpu.memory_space<semaphore_mem>>)
    %scan3A_87 = arith.constant 0 : i32
    %scan3A_88 = arith.constant 22 : i32
    %scan3A_89 = arith.addi %scan3A_87, %scan3A_88 : i32
    %scan3A_90 = arith.constant 1 : i32
    scf.for %scan3A_105 = %scan3A_87 to %scan3A_89 step %scan3A_90  : i32 {
      %mul3A_106 = arith.constant 6 : i32
      %mul3A_107 = arith.muli %scan3A_105, %mul3A_106 : i32
      %add3A_108 = arith.constant 0 : i32
      %add3A_109 = arith.addi %add3A_108, %mul3A_107 : i32
      %add3A_110 = arith.constant 0 : i32
      %add3A_111 = arith.addi %add3A_109, %add3A_110 : i32
      %lt3A = arith.constant 125 : i32
      %lt3A_112 = arith.cmpi slt, %add3A_111, %lt3A : i32
      %convert_element_type3A_113 = arith.extui %lt3A_112 : i1 to i32
      %cond3A_114 = arith.constant 0 : i32
      %cond3A_115 = arith.cmpi ne, %convert_element_type3A_113, %cond3A_114 : i32
      scf.if %cond3A_115 {
        %dma_wait3A_151 = arith.constant 0 : i32
        %dma_wait3A_152 = arith.constant 0 : i32
        %dma_wait3A_153 = tpu.memref_slice %arg4[%dma_wait3A_151, %dma_wait3A_152] : memref<10000x128xf32, #tpu.memory_space<hbm>> -> memref<10000x128xf32, #tpu.memory_space<hbm>>
        tpu.wait_indirect_dma semaphore(%arg31 : memref<!tpu.dma_semaphore, #tpu.memory_space<semaphore_mem>>) src(%dma_wait3A_153 : memref<10000x128xf32, #tpu.memory_space<hbm>>) dst(%arg22 : memref<80x128xf32, #tpu.memory_space<vmem>>)
        %dma_start3A_154 = arith.constant 0 : i32
        %dma_start3A_155 = arith.constant 0 : i32
        %dma_start3A_156 = tpu.memref_slice %arg8[%dma_start3A_154, %dma_start3A_155] : memref<10000x128xf32, #tpu.memory_space<vmem_shared>> -> memref<10000x128xf32, #tpu.memory_space<vmem_shared>>
        tpu.enqueue_indirect_dma source(%arg22 : memref<80x128xf32, #tpu.memory_space<vmem>>) target(%dma_start3A_156 : memref<10000x128xf32, #tpu.memory_space<vmem_shared>>) offsets(%arg16 : memref<80xi32, #tpu.memory_space<vmem>>) semaphore(%arg34 : memref<!tpu.dma_semaphore, #tpu.memory_space<semaphore_mem>>) {add = true}
        %broadcast_in_dim3A_157 = arith.constant 0 : i32
        %broadcast_in_dim3A_158 = vector.broadcast %broadcast_in_dim3A_157 : i32 to vector<16xi32>
        %get3A = arith.constant 0 : index
        %get3A_159 = tpu.vector_load %arg16[%get3A] {strides = array<i32>} : memref<80xi32, #tpu.memory_space<vmem>>, vector<16xi32>,
        %broadcast_in_dim3A_160 = arith.constant true
        %broadcast_in_dim3A_161 = vector.broadcast %broadcast_in_dim3A_160 : i1 to vector<16xi1>
        %unique3A, %unique3A_162 = tpu.scan_count mask(%broadcast_in_dim3A_161 : vector<16xi1>) value(%get3A_159 : vector<16xi32>) : vector<16xi1>, vector<16xi32>
        tpu.vector_store_idx %arg9[%broadcast_in_dim3A_158, %get3A_159], %unique3A_162 masked %unique3A {add = true} : memref<1x10000xi32, #tpu.memory_space<vmem>>[vector<16xi32>, vector<16xi32>], vector<16xi32>, vector<16xi1>
        %get3A_163 = arith.constant 16 : index
        %get3A_164 = tpu.vector_load %arg16[%get3A_163] {strides = array<i32>} : memref<80xi32, #tpu.memory_space<vmem>>, vector<16xi32>,
        %broadcast_in_dim3A_165 = arith.constant true
        %broadcast_in_dim3A_166 = vector.broadcast %broadcast_in_dim3A_165 : i1 to vector<16xi1>
        %unique3A_167, %unique3A_168 = tpu.scan_count mask(%broadcast_in_dim3A_166 : vector<16xi1>) value(%get3A_164 : vector<16xi32>) : vector<16xi1>, vector<16xi32>
        tpu.vector_store_idx %arg9[%broadcast_in_dim3A_158, %get3A_164], %unique3A_168 masked %unique3A_167 {add = true} : memref<1x10000xi32, #tpu.memory_space<vmem>>[vector<16xi32>, vector<16xi32>], vector<16xi32>, vector<16xi1>
        %get3A_169 = arith.constant 32 : index
        %get3A_170 = tpu.vector_load %arg16[%get3A_169] {strides = array<i32>} : memref<80xi32, #tpu.memory_space<vmem>>, vector<16xi32>,
        %broadcast_in_dim3A_171 = arith.constant true
        %broadcast_in_dim3A_172 = vector.broadcast %broadcast_in_dim3A_171 : i1 to vector<16xi1>
        %unique3A_173, %unique3A_174 = tpu.scan_count mask(%broadcast_in_dim3A_172 : vector<16xi1>) value(%get3A_170 : vector<16xi32>) : vector<16xi1>, vector<16xi32>
        tpu.vector_store_idx %arg9[%broadcast_in_dim3A_158, %get3A_170], %unique3A_174 masked %unique3A_173 {add = true} : memref<1x10000xi32, #tpu.memory_space<vmem>>[vector<16xi32>, vector<16xi32>], vector<16xi32>, vector<16xi1>
        %get3A_175 = arith.constant 48 : index
        %get3A_176 = tpu.vector_load %arg16[%get3A_175] {strides = array<i32>} : memref<80xi32, #tpu.memory_space<vmem>>, vector<16xi32>,
        %broadcast_in_dim3A_177 = arith.constant true
        %broadcast_in_dim3A_178 = vector.broadcast %broadcast_in_dim3A_177 : i1 to vector<16xi1>
        %unique3A_179, %unique3A_180 = tpu.scan_count mask(%broadcast_in_dim3A_178 : vector<16xi1>) value(%get3A_176 : vector<16xi32>) : vector<16xi1>, vector<16xi32>
        tpu.vector_store_idx %arg9[%broadcast_in_dim3A_158, %get3A_176], %unique3A_180 masked %unique3A_179 {add = true} : memref<1x10000xi32, #tpu.memory_space<vmem>>[vector<16xi32>, vector<16xi32>], vector<16xi32>, vector<16xi1>
        %get3A_181 = arith.constant 64 : index
        %get3A_182 = tpu.vector_load %arg16[%get3A_181] {strides = array<i32>} : memref<80xi32, #tpu.memory_space<vmem>>, vector<16xi32>,
        %broadcast_in_dim3A_183 = arith.constant true
        %broadcast_in_dim3A_184 = vector.broadcast %broadcast_in_dim3A_183 : i1 to vector<16xi1>
        %unique3A_185, %unique3A_186 = tpu.scan_count mask(%broadcast_in_dim3A_184 : vector<16xi1>) value(%get3A_182 : vector<16xi32>) : vector<16xi1>, vector<16xi32>
        tpu.vector_store_idx %arg9[%broadcast_in_dim3A_158, %get3A_182], %unique3A_186 masked %unique3A_185 {add = true} : memref<1x10000xi32, #tpu.memory_space<vmem>>[vector<16xi32>, vector<16xi32>], vector<16xi32>, vector<16xi1>
        %ge3A = arith.constant 1 : i32
        %ge3A_187 = arith.cmpi sge, %add3A_111, %ge3A : i32
        %convert_element_type3A_188 = arith.extui %ge3A_187 : i1 to i32
        %cond3A_189 = arith.constant 0 : i32
        %cond3A_190 = arith.cmpi ne, %convert_element_type3A_188, %cond3A_189 : i32
        scf.if %cond3A_190 {
          %dma_wait3A_205 = arith.constant 0 : i32
          %dma_wait3A_206 = arith.constant 0 : i32
          %dma_wait3A_207 = tpu.memref_slice %arg8[%dma_wait3A_205, %dma_wait3A_206] : memref<10000x128xf32, #tpu.memory_space<vmem_shared>> -> memref<10000x128xf32, #tpu.memory_space<vmem_shared>>
          tpu.wait_indirect_dma semaphore(%arg36 : memref<!tpu.dma_semaphore, #tpu.memory_space<semaphore_mem>>) src(%arg24 : memref<80x128xf32, #tpu.memory_space<vmem>>) dst(%dma_wait3A_207 : memref<10000x128xf32, #tpu.memory_space<vmem_shared>>)
        } else {
        }
        %add3A_191 = arith.constant 3 : i32
        %add3A_192 = arith.addi %add3A_111, %add3A_191 : i32
        %lt3A_193 = arith.constant 125 : i32
        %lt3A_194 = arith.cmpi slt, %add3A_192, %lt3A_193 : i32
        %convert_element_type3A_195 = arith.extui %lt3A_194 : i1 to i32
        %cond3A_196 = arith.constant 0 : i32
        %cond3A_197 = arith.cmpi ne, %convert_element_type3A_195, %cond3A_196 : i32
        scf.if %cond3A_197 {
          %add3A_205 = arith.constant 3 : i32
          %add3A_206 = arith.addi %add3A_111, %add3A_205 : i32
          %dma_start3A_207 = arith.constant 0 : i32
          %dma_start3A_208 = tpu.memref_slice %arg2[%add3A, %add3A_206, %dma_start3A_207] : memref<32x125x80xi32, #tpu.memory_space<hbm>> -> memref<1x1x80xi32, #tpu.memory_space<hbm>>
          %dma_start3A_209 = tpu.memref_squeeze %dma_start3A_208 : memref<1x1x80xi32, #tpu.memory_space<hbm>> -> memref<80xi32, #tpu.memory_space<hbm>>
          %dma_start3A_210 = arith.constant 0 : i32
          %dma_start3A_211 = tpu.memref_slice %arg2[%add3A, %add3A_206, %dma_start3A_210] : memref<32x125x80xi32, #tpu.memory_space<hbm>> -> memref<1x1x80xi32, #tpu.memory_space<hbm>>
          %dma_start3A_212 = tpu.memref_squeeze %dma_start3A_211 : memref<1x1x80xi32, #tpu.memory_space<hbm>> -> memref<80xi32, #tpu.memory_space<hbm>>
          tpu.enqueue_dma source(%dma_start3A_212 : memref<80xi32, #tpu.memory_space<hbm>>) target(%arg13 : memref<80xi32, #tpu.memory_space<vmem>>) target_semaphore(%arg28 : memref<!tpu.dma_semaphore, #tpu.memory_space<semaphore_mem>>)
          %dma_start3A_213 = arith.constant 0 : i32
          %dma_start3A_214 = tpu.memref_slice %arg3[%add3A, %add3A_206, %dma_start3A_213] : memref<32x125x80xi32, #tpu.memory_space<hbm>> -> memref<1x1x80xi32, #tpu.memory_space<hbm>>
          %dma_start3A_215 = tpu.memref_squeeze %dma_start3A_214 : memref<1x1x80xi32, #tpu.memory_space<hbm>> -> memref<80xi32, #tpu.memory_space<hbm>>
          %dma_start3A_216 = arith.constant 0 : i32
          %dma_start3A_217 = tpu.memref_slice %arg3[%add3A, %add3A_206, %dma_start3A_216] : memref<32x125x80xi32, #tpu.memory_space<hbm>> -> memref<1x1x80xi32, #tpu.memory_space<hbm>>
          %dma_start3A_218 = tpu.memref_squeeze %dma_start3A_217 : memref<1x1x80xi32, #tpu.memory_space<hbm>> -> memref<80xi32, #tpu.memory_space<hbm>>
          tpu.enqueue_dma source(%dma_start3A_218 : memref<80xi32, #tpu.memory_space<hbm>>) target(%arg19 : memref<80xi32, #tpu.memory_space<vmem>>) target_semaphore(%arg28 : memref<!tpu.dma_semaphore, #tpu.memory_space<semaphore_mem>>)
        } else {
        }
        %add3A_198 = arith.constant 2 : i32
        %add3A_199 = arith.addi %add3A_111, %add3A_198 : i32
        %lt3A_200 = arith.constant 125 : i32
        %lt3A_201 = arith.cmpi slt, %add3A_199, %lt3A_200 : i32
        %convert_element_type3A_202 = arith.extui %lt3A_201 : i1 to i32
        %cond3A_203 = arith.constant 0 : i32
        %cond3A_204 = arith.cmpi ne, %convert_element_type3A_202, %cond3A_203 : i32
        scf.if %cond3A_204 {
          %dma_wait3A_205 = arith.constant 0 : i32
          %dma_wait3A_206 = arith.constant 0 : i32
          %dma_wait3A_207 = tpu.memref_slice %arg2[%add3A, %dma_wait3A_205, %dma_wait3A_206] : memref<32x125x80xi32, #tpu.memory_space<hbm>> -> memref<1x1x80xi32, #tpu.memory_space<hbm>>
          %dma_wait3A_208 = tpu.memref_squeeze %dma_wait3A_207 : memref<1x1x80xi32, #tpu.memory_space<hbm>> -> memref<80xi32, #tpu.memory_space<hbm>>
          %dma_wait3A_209 = arith.constant 0 : i32
          %dma_wait3A_210 = tpu.memref_slice %arg2[%add3A, %dma_wait3A_205, %dma_wait3A_209] : memref<32x125x80xi32, #tpu.memory_space<hbm>> -> memref<1x1x80xi32, #tpu.memory_space<hbm>>
          %dma_wait3A_211 = tpu.memref_squeeze %dma_wait3A_210 : memref<1x1x80xi32, #tpu.memory_space<hbm>> -> memref<80xi32, #tpu.memory_space<hbm>>
          tpu.wait_dma2 semaphore(%arg27 : memref<!tpu.dma_semaphore, #tpu.memory_space<semaphore_mem>>) src(%dma_wait3A_211 : memref<80xi32, #tpu.memory_space<hbm>>) dst(%arg12 : memref<80xi32, #tpu.memory_space<vmem>>)
          %dma_wait3A_212 = arith.constant 0 : i32
          %dma_wait3A_213 = arith.constant 0 : i32
          %dma_wait3A_214 = tpu.memref_slice %arg3[%add3A, %dma_wait3A_212, %dma_wait3A_213] : memref<32x125x80xi32, #tpu.memory_space<hbm>> -> memref<1x1x80xi32, #tpu.memory_space<hbm>>
          %dma_wait3A_215 = tpu.memref_squeeze %dma_wait3A_214 : memref<1x1x80xi32, #tpu.memory_space<hbm>> -> memref<80xi32, #tpu.memory_space<hbm>>
          %dma_wait3A_216 = arith.constant 0 : i32
          %dma_wait3A_217 = tpu.memref_slice %arg3[%add3A, %dma_wait3A_212, %dma_wait3A_216] : memref<32x125x80xi32, #tpu.memory_space<hbm>> -> memref<1x1x80xi32, #tpu.memory_space<hbm>>
          %dma_wait3A_218 = tpu.memref_squeeze %dma_wait3A_217 : memref<1x1x80xi32, #tpu.memory_space<hbm>> -> memref<80xi32, #tpu.memory_space<hbm>>
          tpu.wait_dma2 semaphore(%arg27 : memref<!tpu.dma_semaphore, #tpu.memory_space<semaphore_mem>>) src(%dma_wait3A_218 : memref<80xi32, #tpu.memory_space<hbm>>) dst(%arg18 : memref<80xi32, #tpu.memory_space<vmem>>)
          %dma_start3A_219 = arith.constant 0 : i32
          %dma_start3A_220 = arith.constant 0 : i32
          %dma_start3A_221 = tpu.memref_slice %arg4[%dma_start3A_219, %dma_start3A_220] : memref<10000x128xf32, #tpu.memory_space<hbm>> -> memref<10000x128xf32, #tpu.memory_space<hbm>>
          tpu.enqueue_indirect_dma source(%dma_start3A_221 : memref<10000x128xf32, #tpu.memory_space<hbm>>) target(%arg24 : memref<80x128xf32, #tpu.memory_space<vmem>>) offsets(%arg12 : memref<80xi32, #tpu.memory_space<vmem>>) semaphore(%arg33 : memref<!tpu.dma_semaphore, #tpu.memory_space<semaphore_mem>>)
        } else {
        }
      } else {
      }
      %add3A_116 = arith.constant 1 : i32
      %add3A_117 = arith.addi %add3A_109, %add3A_116 : i32
      %lt3A_118 = arith.constant 125 : i32
      %lt3A_119 = arith.cmpi slt, %add3A_117, %lt3A_118 : i32
      %convert_element_type3A_120 = arith.extui %lt3A_119 : i1 to i32
      %cond3A_121 = arith.constant 0 : i32
      %cond3A_122 = arith.cmpi ne, %convert_element_type3A_120, %cond3A_121 : i32
      scf.if %cond3A_122 {
        %dma_wait3A_151 = arith.constant 0 : i32
        %dma_wait3A_152 = arith.constant 0 : i32
        %dma_wait3A_153 = tpu.memref_slice %arg4[%dma_wait3A_151, %dma_wait3A_152] : memref<10000x128xf32, #tpu.memory_space<hbm>> -> memref<10000x128xf32, #tpu.memory_space<hbm>>
        tpu.wait_indirect_dma semaphore(%arg32 : memref<!tpu.dma_semaphore, #tpu.memory_space<semaphore_mem>>) src(%dma_wait3A_153 : memref<10000x128xf32, #tpu.memory_space<hbm>>) dst(%arg23 : memref<80x128xf32, #tpu.memory_space<vmem>>)
        %dma_start3A_154 = arith.constant 0 : i32
        %dma_start3A_155 = arith.constant 0 : i32
        %dma_start3A_156 = tpu.memref_slice %arg8[%dma_start3A_154, %dma_start3A_155] : memref<10000x128xf32, #tpu.memory_space<vmem_shared>> -> memref<10000x128xf32, #tpu.memory_space<vmem_shared>>
        tpu.enqueue_indirect_dma source(%arg23 : memref<80x128xf32, #tpu.memory_space<vmem>>) target(%dma_start3A_156 : memref<10000x128xf32, #tpu.memory_space<vmem_shared>>) offsets(%arg17 : memref<80xi32, #tpu.memory_space<vmem>>) semaphore(%arg35 : memref<!tpu.dma_semaphore, #tpu.memory_space<semaphore_mem>>) {add = true}
        %broadcast_in_dim3A_157 = arith.constant 0 : i32
        %broadcast_in_dim3A_158 = vector.broadcast %broadcast_in_dim3A_157 : i32 to vector<16xi32>
        %get3A = arith.constant 0 : index
        %get3A_159 = tpu.vector_load %arg17[%get3A] {strides = array<i32>} : memref<80xi32, #tpu.memory_space<vmem>>, vector<16xi32>,
        %broadcast_in_dim3A_160 = arith.constant true
        %broadcast_in_dim3A_161 = vector.broadcast %broadcast_in_dim3A_160 : i1 to vector<16xi1>
        %unique3A, %unique3A_162 = tpu.scan_count mask(%broadcast_in_dim3A_161 : vector<16xi1>) value(%get3A_159 : vector<16xi32>) : vector<16xi1>, vector<16xi32>
        tpu.vector_store_idx %arg9[%broadcast_in_dim3A_158, %get3A_159], %unique3A_162 masked %unique3A {add = true} : memref<1x10000xi32, #tpu.memory_space<vmem>>[vector<16xi32>, vector<16xi32>], vector<16xi32>, vector<16xi1>
        %get3A_163 = arith.constant 16 : index
        %get3A_164 = tpu.vector_load %arg17[%get3A_163] {strides = array<i32>} : memref<80xi32, #tpu.memory_space<vmem>>, vector<16xi32>,
        %broadcast_in_dim3A_165 = arith.constant true
        %broadcast_in_dim3A_166 = vector.broadcast %broadcast_in_dim3A_165 : i1 to vector<16xi1>
        %unique3A_167, %unique3A_168 = tpu.scan_count mask(%broadcast_in_dim3A_166 : vector<16xi1>) value(%get3A_164 : vector<16xi32>) : vector<16xi1>, vector<16xi32>
        tpu.vector_store_idx %arg9[%broadcast_in_dim3A_158, %get3A_164], %unique3A_168 masked %unique3A_167 {add = true} : memref<1x10000xi32, #tpu.memory_space<vmem>>[vector<16xi32>, vector<16xi32>], vector<16xi32>, vector<16xi1>
        %get3A_169 = arith.constant 32 : index
        %get3A_170 = tpu.vector_load %arg17[%get3A_169] {strides = array<i32>} : memref<80xi32, #tpu.memory_space<vmem>>, vector<16xi32>,
        %broadcast_in_dim3A_171 = arith.constant true
        %broadcast_in_dim3A_172 = vector.broadcast %broadcast_in_dim3A_171 : i1 to vector<16xi1>
        %unique3A_173, %unique3A_174 = tpu.scan_count mask(%broadcast_in_dim3A_172 : vector<16xi1>) value(%get3A_170 : vector<16xi32>) : vector<16xi1>, vector<16xi32>
        tpu.vector_store_idx %arg9[%broadcast_in_dim3A_158, %get3A_170], %unique3A_174 masked %unique3A_173 {add = true} : memref<1x10000xi32, #tpu.memory_space<vmem>>[vector<16xi32>, vector<16xi32>], vector<16xi32>, vector<16xi1>
        %get3A_175 = arith.constant 48 : index
        %get3A_176 = tpu.vector_load %arg17[%get3A_175] {strides = array<i32>} : memref<80xi32, #tpu.memory_space<vmem>>, vector<16xi32>,
        %broadcast_in_dim3A_177 = arith.constant true
        %broadcast_in_dim3A_178 = vector.broadcast %broadcast_in_dim3A_177 : i1 to vector<16xi1>
        %unique3A_179, %unique3A_180 = tpu.scan_count mask(%broadcast_in_dim3A_178 : vector<16xi1>) value(%get3A_176 : vector<16xi32>) : vector<16xi1>, vector<16xi32>
        tpu.vector_store_idx %arg9[%broadcast_in_dim3A_158, %get3A_176], %unique3A_180 masked %unique3A_179 {add = true} : memref<1x10000xi32, #tpu.memory_space<vmem>>[vector<16xi32>, vector<16xi32>], vector<16xi32>, vector<16xi1>
        %get3A_181 = arith.constant 64 : index
        %get3A_182 = tpu.vector_load %arg17[%get3A_181] {strides = array<i32>} : memref<80xi32, #tpu.memory_space<vmem>>, vector<16xi32>,
        %broadcast_in_dim3A_183 = arith.constant true
        %broadcast_in_dim3A_184 = vector.broadcast %broadcast_in_dim3A_183 : i1 to vector<16xi1>
        %unique3A_185, %unique3A_186 = tpu.scan_count mask(%broadcast_in_dim3A_184 : vector<16xi1>) value(%get3A_182 : vector<16xi32>) : vector<16xi1>, vector<16xi32>
        tpu.vector_store_idx %arg9[%broadcast_in_dim3A_158, %get3A_182], %unique3A_186 masked %unique3A_185 {add = true} : memref<1x10000xi32, #tpu.memory_space<vmem>>[vector<16xi32>, vector<16xi32>], vector<16xi32>, vector<16xi1>
        %ge3A = arith.constant 1 : i32
        %ge3A_187 = arith.cmpi sge, %add3A_117, %ge3A : i32
        %convert_element_type3A_188 = arith.extui %ge3A_187 : i1 to i32
        %cond3A_189 = arith.constant 0 : i32
        %cond3A_190 = arith.cmpi ne, %convert_element_type3A_188, %cond3A_189 : i32
        scf.if %cond3A_190 {
          %dma_wait3A_205 = arith.constant 0 : i32
          %dma_wait3A_206 = arith.constant 0 : i32
          %dma_wait3A_207 = tpu.memref_slice %arg8[%dma_wait3A_205, %dma_wait3A_206] : memref<10000x128xf32, #tpu.memory_space<vmem_shared>> -> memref<10000x128xf32, #tpu.memory_space<vmem_shared>>
          tpu.wait_indirect_dma semaphore(%arg34 : memref<!tpu.dma_semaphore, #tpu.memory_space<semaphore_mem>>) src(%arg22 : memref<80x128xf32, #tpu.memory_space<vmem>>) dst(%dma_wait3A_207 : memref<10000x128xf32, #tpu.memory_space<vmem_shared>>)
        } else {
        }
        %add3A_191 = arith.constant 3 : i32
        %add3A_192 = arith.addi %add3A_117, %add3A_191 : i32
        %lt3A_193 = arith.constant 125 : i32
        %lt3A_194 = arith.cmpi slt, %add3A_192, %lt3A_193 : i32
        %convert_element_type3A_195 = arith.extui %lt3A_194 : i1 to i32
        %cond3A_196 = arith.constant 0 : i32
        %cond3A_197 = arith.cmpi ne, %convert_element_type3A_195, %cond3A_196 : i32
        scf.if %cond3A_197 {
          %add3A_205 = arith.constant 3 : i32
          %add3A_206 = arith.addi %add3A_117, %add3A_205 : i32
          %dma_start3A_207 = arith.constant 0 : i32
          %dma_start3A_208 = tpu.memref_slice %arg2[%add3A, %add3A_206, %dma_start3A_207] : memref<32x125x80xi32, #tpu.memory_space<hbm>> -> memref<1x1x80xi32, #tpu.memory_space<hbm>>
          %dma_start3A_209 = tpu.memref_squeeze %dma_start3A_208 : memref<1x1x80xi32, #tpu.memory_space<hbm>> -> memref<80xi32, #tpu.memory_space<hbm>>
          %dma_start3A_210 = arith.constant 0 : i32
          %dma_start3A_211 = tpu.memref_slice %arg2[%add3A, %add3A_206, %dma_start3A_210] : memref<32x125x80xi32, #tpu.memory_space<hbm>> -> memref<1x1x80xi32, #tpu.memory_space<hbm>>
          %dma_start3A_212 = tpu.memref_squeeze %dma_start3A_211 : memref<1x1x80xi32, #tpu.memory_space<hbm>> -> memref<80xi32, #tpu.memory_space<hbm>>
          tpu.enqueue_dma source(%dma_start3A_212 : memref<80xi32, #tpu.memory_space<hbm>>) target(%arg14 : memref<80xi32, #tpu.memory_space<vmem>>) target_semaphore(%arg29 : memref<!tpu.dma_semaphore, #tpu.memory_space<semaphore_mem>>)
          %dma_start3A_213 = arith.constant 0 : i32
          %dma_start3A_214 = tpu.memref_slice %arg3[%add3A, %add3A_206, %dma_start3A_213] : memref<32x125x80xi32, #tpu.memory_space<hbm>> -> memref<1x1x80xi32, #tpu.memory_space<hbm>>
          %dma_start3A_215 = tpu.memref_squeeze %dma_start3A_214 : memref<1x1x80xi32, #tpu.memory_space<hbm>> -> memref<80xi32, #tpu.memory_space<hbm>>
          %dma_start3A_216 = arith.constant 0 : i32
          %dma_start3A_217 = tpu.memref_slice %arg3[%add3A, %add3A_206, %dma_start3A_216] : memref<32x125x80xi32, #tpu.memory_space<hbm>> -> memref<1x1x80xi32, #tpu.memory_space<hbm>>
          %dma_start3A_218 = tpu.memref_squeeze %dma_start3A_217 : memref<1x1x80xi32, #tpu.memory_space<hbm>> -> memref<80xi32, #tpu.memory_space<hbm>>
          tpu.enqueue_dma source(%dma_start3A_218 : memref<80xi32, #tpu.memory_space<hbm>>) target(%arg20 : memref<80xi32, #tpu.memory_space<vmem>>) target_semaphore(%arg29 : memref<!tpu.dma_semaphore, #tpu.memory_space<semaphore_mem>>)
        } else {
        }
        %add3A_198 = arith.constant 2 : i32
        %add3A_199 = arith.addi %add3A_117, %add3A_198 : i32
        %lt3A_200 = arith.constant 125 : i32
        %lt3A_201 = arith.cmpi slt, %add3A_199, %lt3A_200 : i32
        %convert_element_type3A_202 = arith.extui %lt3A_201 : i1 to i32
        %cond3A_203 = arith.constant 0 : i32
        %cond3A_204 = arith.cmpi ne, %convert_element_type3A_202, %cond3A_203 : i32
        scf.if %cond3A_204 {
          %dma_wait3A_205 = arith.constant 0 : i32
          %dma_wait3A_206 = arith.constant 0 : i32
          %dma_wait3A_207 = tpu.memref_slice %arg2[%add3A, %dma_wait3A_205, %dma_wait3A_206] : memref<32x125x80xi32, #tpu.memory_space<hbm>> -> memref<1x1x80xi32, #tpu.memory_space<hbm>>
          %dma_wait3A_208 = tpu.memref_squeeze %dma_wait3A_207 : memref<1x1x80xi32, #tpu.memory_space<hbm>> -> memref<80xi32, #tpu.memory_space<hbm>>
          %dma_wait3A_209 = arith.constant 0 : i32
          %dma_wait3A_210 = tpu.memref_slice %arg2[%add3A, %dma_wait3A_205, %dma_wait3A_209] : memref<32x125x80xi32, #tpu.memory_space<hbm>> -> memref<1x1x80xi32, #tpu.memory_space<hbm>>
          %dma_wait3A_211 = tpu.memref_squeeze %dma_wait3A_210 : memref<1x1x80xi32, #tpu.memory_space<hbm>> -> memref<80xi32, #tpu.memory_space<hbm>>
          tpu.wait_dma2 semaphore(%arg28 : memref<!tpu.dma_semaphore, #tpu.memory_space<semaphore_mem>>) src(%dma_wait3A_211 : memref<80xi32, #tpu.memory_space<hbm>>) dst(%arg13 : memref<80xi32, #tpu.memory_space<vmem>>)
          %dma_wait3A_212 = arith.constant 0 : i32
          %dma_wait3A_213 = arith.constant 0 : i32
          %dma_wait3A_214 = tpu.memref_slice %arg3[%add3A, %dma_wait3A_212, %dma_wait3A_213] : memref<32x125x80xi32, #tpu.memory_space<hbm>> -> memref<1x1x80xi32, #tpu.memory_space<hbm>>
          %dma_wait3A_215 = tpu.memref_squeeze %dma_wait3A_214 : memref<1x1x80xi32, #tpu.memory_space<hbm>> -> memref<80xi32, #tpu.memory_space<hbm>>
          %dma_wait3A_216 = arith.constant 0 : i32
          %dma_wait3A_217 = tpu.memref_slice %arg3[%add3A, %dma_wait3A_212, %dma_wait3A_216] : memref<32x125x80xi32, #tpu.memory_space<hbm>> -> memref<1x1x80xi32, #tpu.memory_space<hbm>>
          %dma_wait3A_218 = tpu.memref_squeeze %dma_wait3A_217 : memref<1x1x80xi32, #tpu.memory_space<hbm>> -> memref<80xi32, #tpu.memory_space<hbm>>
          tpu.wait_dma2 semaphore(%arg28 : memref<!tpu.dma_semaphore, #tpu.memory_space<semaphore_mem>>) src(%dma_wait3A_218 : memref<80xi32, #tpu.memory_space<hbm>>) dst(%arg19 : memref<80xi32, #tpu.memory_space<vmem>>)
          %dma_start3A_219 = arith.constant 0 : i32
          %dma_start3A_220 = arith.constant 0 : i32
          %dma_start3A_221 = tpu.memref_slice %arg4[%dma_start3A_219, %dma_start3A_220] : memref<10000x128xf32, #tpu.memory_space<hbm>> -> memref<10000x128xf32, #tpu.memory_space<hbm>>
          tpu.enqueue_indirect_dma source(%dma_start3A_221 : memref<10000x128xf32, #tpu.memory_space<hbm>>) target(%arg22 : memref<80x128xf32, #tpu.memory_space<vmem>>) offsets(%arg13 : memref<80xi32, #tpu.memory_space<vmem>>) semaphore(%arg31 : memref<!tpu.dma_semaphore, #tpu.memory_space<semaphore_mem>>)
        } else {
        }
      } else {
      }
      %add3A_123 = arith.constant 2 : i32
      %add3A_124 = arith.addi %add3A_109, %add3A_123 : i32
      %lt3A_125 = arith.constant 125 : i32
      %lt3A_126 = arith.cmpi slt, %add3A_124, %lt3A_125 : i32
      %convert_element_type3A_127 = arith.extui %lt3A_126 : i1 to i32
      %cond3A_128 = arith.constant 0 : i32
      %cond3A_129 = arith.cmpi ne, %convert_element_type3A_127, %cond3A_128 : i32
      scf.if %cond3A_129 {
        %dma_wait3A_151 = arith.constant 0 : i32
        %dma_wait3A_152 = arith.constant 0 : i32
        %dma_wait3A_153 = tpu.memref_slice %arg4[%dma_wait3A_151, %dma_wait3A_152] : memref<10000x128xf32, #tpu.memory_space<hbm>> -> memref<10000x128xf32, #tpu.memory_space<hbm>>
        tpu.wait_indirect_dma semaphore(%arg33 : memref<!tpu.dma_semaphore, #tpu.memory_space<semaphore_mem>>) src(%dma_wait3A_153 : memref<10000x128xf32, #tpu.memory_space<hbm>>) dst(%arg24 : memref<80x128xf32, #tpu.memory_space<vmem>>)
        %dma_start3A_154 = arith.constant 0 : i32
        %dma_start3A_155 = arith.constant 0 : i32
        %dma_start3A_156 = tpu.memref_slice %arg8[%dma_start3A_154, %dma_start3A_155] : memref<10000x128xf32, #tpu.memory_space<vmem_shared>> -> memref<10000x128xf32, #tpu.memory_space<vmem_shared>>
        tpu.enqueue_indirect_dma source(%arg24 : memref<80x128xf32, #tpu.memory_space<vmem>>) target(%dma_start3A_156 : memref<10000x128xf32, #tpu.memory_space<vmem_shared>>) offsets(%arg18 : memref<80xi32, #tpu.memory_space<vmem>>) semaphore(%arg36 : memref<!tpu.dma_semaphore, #tpu.memory_space<semaphore_mem>>) {add = true}
        %broadcast_in_dim3A_157 = arith.constant 0 : i32
        %broadcast_in_dim3A_158 = vector.broadcast %broadcast_in_dim3A_157 : i32 to vector<16xi32>
        %get3A = arith.constant 0 : index
        %get3A_159 = tpu.vector_load %arg18[%get3A] {strides = array<i32>} : memref<80xi32, #tpu.memory_space<vmem>>, vector<16xi32>,
        %broadcast_in_dim3A_160 = arith.constant true
        %broadcast_in_dim3A_161 = vector.broadcast %broadcast_in_dim3A_160 : i1 to vector<16xi1>
        %unique3A, %unique3A_162 = tpu.scan_count mask(%broadcast_in_dim3A_161 : vector<16xi1>) value(%get3A_159 : vector<16xi32>) : vector<16xi1>, vector<16xi32>
        tpu.vector_store_idx %arg9[%broadcast_in_dim3A_158, %get3A_159], %unique3A_162 masked %unique3A {add = true} : memref<1x10000xi32, #tpu.memory_space<vmem>>[vector<16xi32>, vector<16xi32>], vector<16xi32>, vector<16xi1>
        %get3A_163 = arith.constant 16 : index
        %get3A_164 = tpu.vector_load %arg18[%get3A_163] {strides = array<i32>} : memref<80xi32, #tpu.memory_space<vmem>>, vector<16xi32>,
        %broadcast_in_dim3A_165 = arith.constant true
        %broadcast_in_dim3A_166 = vector.broadcast %broadcast_in_dim3A_165 : i1 to vector<16xi1>
        %unique3A_167, %unique3A_168 = tpu.scan_count mask(%broadcast_in_dim3A_166 : vector<16xi1>) value(%get3A_164 : vector<16xi32>) : vector<16xi1>, vector<16xi32>
        tpu.vector_store_idx %arg9[%broadcast_in_dim3A_158, %get3A_164], %unique3A_168 masked %unique3A_167 {add = true} : memref<1x10000xi32, #tpu.memory_space<vmem>>[vector<16xi32>, vector<16xi32>], vector<16xi32>, vector<16xi1>
        %get3A_169 = arith.constant 32 : index
        %get3A_170 = tpu.vector_load %arg18[%get3A_169] {strides = array<i32>} : memref<80xi32, #tpu.memory_space<vmem>>, vector<16xi32>,
        %broadcast_in_dim3A_171 = arith.constant true
        %broadcast_in_dim3A_172 = vector.broadcast %broadcast_in_dim3A_171 : i1 to vector<16xi1>
        %unique3A_173, %unique3A_174 = tpu.scan_count mask(%broadcast_in_dim3A_172 : vector<16xi1>) value(%get3A_170 : vector<16xi32>) : vector<16xi1>, vector<16xi32>
        tpu.vector_store_idx %arg9[%broadcast_in_dim3A_158, %get3A_170], %unique3A_174 masked %unique3A_173 {add = true} : memref<1x10000xi32, #tpu.memory_space<vmem>>[vector<16xi32>, vector<16xi32>], vector<16xi32>, vector<16xi1>
        %get3A_175 = arith.constant 48 : index
        %get3A_176 = tpu.vector_load %arg18[%get3A_175] {strides = array<i32>} : memref<80xi32, #tpu.memory_space<vmem>>, vector<16xi32>,
        %broadcast_in_dim3A_177 = arith.constant true
        %broadcast_in_dim3A_178 = vector.broadcast %broadcast_in_dim3A_177 : i1 to vector<16xi1>
        %unique3A_179, %unique3A_180 = tpu.scan_count mask(%broadcast_in_dim3A_178 : vector<16xi1>) value(%get3A_176 : vector<16xi32>) : vector<16xi1>, vector<16xi32>
        tpu.vector_store_idx %arg9[%broadcast_in_dim3A_158, %get3A_176], %unique3A_180 masked %unique3A_179 {add = true} : memref<1x10000xi32, #tpu.memory_space<vmem>>[vector<16xi32>, vector<16xi32>], vector<16xi32>, vector<16xi1>
        %get3A_181 = arith.constant 64 : index
        %get3A_182 = tpu.vector_load %arg18[%get3A_181] {strides = array<i32>} : memref<80xi32, #tpu.memory_space<vmem>>, vector<16xi32>,
        %broadcast_in_dim3A_183 = arith.constant true
        %broadcast_in_dim3A_184 = vector.broadcast %broadcast_in_dim3A_183 : i1 to vector<16xi1>
        %unique3A_185, %unique3A_186 = tpu.scan_count mask(%broadcast_in_dim3A_184 : vector<16xi1>) value(%get3A_182 : vector<16xi32>) : vector<16xi1>, vector<16xi32>
        tpu.vector_store_idx %arg9[%broadcast_in_dim3A_158, %get3A_182], %unique3A_186 masked %unique3A_185 {add = true} : memref<1x10000xi32, #tpu.memory_space<vmem>>[vector<16xi32>, vector<16xi32>], vector<16xi32>, vector<16xi1>
        %ge3A = arith.constant 1 : i32
        %ge3A_187 = arith.cmpi sge, %add3A_124, %ge3A : i32
        %convert_element_type3A_188 = arith.extui %ge3A_187 : i1 to i32
        %cond3A_189 = arith.constant 0 : i32
        %cond3A_190 = arith.cmpi ne, %convert_element_type3A_188, %cond3A_189 : i32
        scf.if %cond3A_190 {
          %dma_wait3A_205 = arith.constant 0 : i32
          %dma_wait3A_206 = arith.constant 0 : i32
          %dma_wait3A_207 = tpu.memref_slice %arg8[%dma_wait3A_205, %dma_wait3A_206] : memref<10000x128xf32, #tpu.memory_space<vmem_shared>> -> memref<10000x128xf32, #tpu.memory_space<vmem_shared>>
          tpu.wait_indirect_dma semaphore(%arg35 : memref<!tpu.dma_semaphore, #tpu.memory_space<semaphore_mem>>) src(%arg23 : memref<80x128xf32, #tpu.memory_space<vmem>>) dst(%dma_wait3A_207 : memref<10000x128xf32, #tpu.memory_space<vmem_shared>>)
        } else {
        }
        %add3A_191 = arith.constant 3 : i32
        %add3A_192 = arith.addi %add3A_124, %add3A_191 : i32
        %lt3A_193 = arith.constant 125 : i32
        %lt3A_194 = arith.cmpi slt, %add3A_192, %lt3A_193 : i32
        %convert_element_type3A_195 = arith.extui %lt3A_194 : i1 to i32
        %cond3A_196 = arith.constant 0 : i32
        %cond3A_197 = arith.cmpi ne, %convert_element_type3A_195, %cond3A_196 : i32
        scf.if %cond3A_197 {
          %add3A_205 = arith.constant 3 : i32
          %add3A_206 = arith.addi %add3A_124, %add3A_205 : i32
          %dma_start3A_207 = arith.constant 0 : i32
          %dma_start3A_208 = tpu.memref_slice %arg2[%add3A, %add3A_206, %dma_start3A_207] : memref<32x125x80xi32, #tpu.memory_space<hbm>> -> memref<1x1x80xi32, #tpu.memory_space<hbm>>
          %dma_start3A_209 = tpu.memref_squeeze %dma_start3A_208 : memref<1x1x80xi32, #tpu.memory_space<hbm>> -> memref<80xi32, #tpu.memory_space<hbm>>
          %dma_start3A_210 = arith.constant 0 : i32
          %dma_start3A_211 = tpu.memref_slice %arg2[%add3A, %add3A_206, %dma_start3A_210] : memref<32x125x80xi32, #tpu.memory_space<hbm>> -> memref<1x1x80xi32, #tpu.memory_space<hbm>>
          %dma_start3A_212 = tpu.memref_squeeze %dma_start3A_211 : memref<1x1x80xi32, #tpu.memory_space<hbm>> -> memref<80xi32, #tpu.memory_space<hbm>>
          tpu.enqueue_dma source(%dma_start3A_212 : memref<80xi32, #tpu.memory_space<hbm>>) target(%arg15 : memref<80xi32, #tpu.memory_space<vmem>>) target_semaphore(%arg30 : memref<!tpu.dma_semaphore, #tpu.memory_space<semaphore_mem>>)
          %dma_start3A_213 = arith.constant 0 : i32
          %dma_start3A_214 = tpu.memref_slice %arg3[%add3A, %add3A_206, %dma_start3A_213] : memref<32x125x80xi32, #tpu.memory_space<hbm>> -> memref<1x1x80xi32, #tpu.memory_space<hbm>>
          %dma_start3A_215 = tpu.memref_squeeze %dma_start3A_214 : memref<1x1x80xi32, #tpu.memory_space<hbm>> -> memref<80xi32, #tpu.memory_space<hbm>>
          %dma_start3A_216 = arith.constant 0 : i32
          %dma_start3A_217 = tpu.memref_slice %arg3[%add3A, %add3A_206, %dma_start3A_216] : memref<32x125x80xi32, #tpu.memory_space<hbm>> -> memref<1x1x80xi32, #tpu.memory_space<hbm>>
          %dma_start3A_218 = tpu.memref_squeeze %dma_start3A_217 : memref<1x1x80xi32, #tpu.memory_space<hbm>> -> memref<80xi32, #tpu.memory_space<hbm>>
          tpu.enqueue_dma source(%dma_start3A_218 : memref<80xi32, #tpu.memory_space<hbm>>) target(%arg21 : memref<80xi32, #tpu.memory_space<vmem>>) target_semaphore(%arg30 : memref<!tpu.dma_semaphore, #tpu.memory_space<semaphore_mem>>)
        } else {
        }
        %add3A_198 = arith.constant 2 : i32
        %add3A_199 = arith.addi %add3A_124, %add3A_198 : i32
        %lt3A_200 = arith.constant 125 : i32
        %lt3A_201 = arith.cmpi slt, %add3A_199, %lt3A_200 : i32
        %convert_element_type3A_202 = arith.extui %lt3A_201 : i1 to i32
        %cond3A_203 = arith.constant 0 : i32
        %cond3A_204 = arith.cmpi ne, %convert_element_type3A_202, %cond3A_203 : i32
        scf.if %cond3A_204 {
          %dma_wait3A_205 = arith.constant 0 : i32
          %dma_wait3A_206 = arith.constant 0 : i32
          %dma_wait3A_207 = tpu.memref_slice %arg2[%add3A, %dma_wait3A_205, %dma_wait3A_206] : memref<32x125x80xi32, #tpu.memory_space<hbm>> -> memref<1x1x80xi32, #tpu.memory_space<hbm>>
          %dma_wait3A_208 = tpu.memref_squeeze %dma_wait3A_207 : memref<1x1x80xi32, #tpu.memory_space<hbm>> -> memref<80xi32, #tpu.memory_space<hbm>>
          %dma_wait3A_209 = arith.constant 0 : i32
          %dma_wait3A_210 = tpu.memref_slice %arg2[%add3A, %dma_wait3A_205, %dma_wait3A_209] : memref<32x125x80xi32, #tpu.memory_space<hbm>> -> memref<1x1x80xi32, #tpu.memory_space<hbm>>
          %dma_wait3A_211 = tpu.memref_squeeze %dma_wait3A_210 : memref<1x1x80xi32, #tpu.memory_space<hbm>> -> memref<80xi32, #tpu.memory_space<hbm>>
          tpu.wait_dma2 semaphore(%arg29 : memref<!tpu.dma_semaphore, #tpu.memory_space<semaphore_mem>>) src(%dma_wait3A_211 : memref<80xi32, #tpu.memory_space<hbm>>) dst(%arg14 : memref<80xi32, #tpu.memory_space<vmem>>)
          %dma_wait3A_212 = arith.constant 0 : i32
          %dma_wait3A_213 = arith.constant 0 : i32
          %dma_wait3A_214 = tpu.memref_slice %arg3[%add3A, %dma_wait3A_212, %dma_wait3A_213] : memref<32x125x80xi32, #tpu.memory_space<hbm>> -> memref<1x1x80xi32, #tpu.memory_space<hbm>>
          %dma_wait3A_215 = tpu.memref_squeeze %dma_wait3A_214 : memref<1x1x80xi32, #tpu.memory_space<hbm>> -> memref<80xi32, #tpu.memory_space<hbm>>
          %dma_wait3A_216 = arith.constant 0 : i32
          %dma_wait3A_217 = tpu.memref_slice %arg3[%add3A, %dma_wait3A_212, %dma_wait3A_216] : memref<32x125x80xi32, #tpu.memory_space<hbm>> -> memref<1x1x80xi32, #tpu.memory_space<hbm>>
          %dma_wait3A_218 = tpu.memref_squeeze %dma_wait3A_217 : memref<1x1x80xi32, #tpu.memory_space<hbm>> -> memref<80xi32, #tpu.memory_space<hbm>>
          tpu.wait_dma2 semaphore(%arg29 : memref<!tpu.dma_semaphore, #tpu.memory_space<semaphore_mem>>) src(%dma_wait3A_218 : memref<80xi32, #tpu.memory_space<hbm>>) dst(%arg20 : memref<80xi32, #tpu.memory_space<vmem>>)
          %dma_start3A_219 = arith.constant 0 : i32
          %dma_start3A_220 = arith.constant 0 : i32
          %dma_start3A_221 = tpu.memref_slice %arg4[%dma_start3A_219, %dma_start3A_220] : memref<10000x128xf32, #tpu.memory_space<hbm>> -> memref<10000x128xf32, #tpu.memory_space<hbm>>
          tpu.enqueue_indirect_dma source(%dma_start3A_221 : memref<10000x128xf32, #tpu.memory_space<hbm>>) target(%arg23 : memref<80x128xf32, #tpu.memory_space<vmem>>) offsets(%arg14 : memref<80xi32, #tpu.memory_space<vmem>>) semaphore(%arg32 : memref<!tpu.dma_semaphore, #tpu.memory_space<semaphore_mem>>)
        } else {
        }
      } else {
      }
      %add3A_130 = arith.constant 3 : i32
      %add3A_131 = arith.addi %add3A_109, %add3A_130 : i32
      %lt3A_132 = arith.constant 125 : i32
      %lt3A_133 = arith.cmpi slt, %add3A_131, %lt3A_132 : i32
      %convert_element_type3A_134 = arith.extui %lt3A_133 : i1 to i32
      %cond3A_135 = arith.constant 0 : i32
      %cond3A_136 = arith.cmpi ne, %convert_element_type3A_134, %cond3A_135 : i32
      scf.if %cond3A_136 {
        %dma_wait3A_151 = arith.constant 0 : i32
        %dma_wait3A_152 = arith.constant 0 : i32
        %dma_wait3A_153 = tpu.memref_slice %arg4[%dma_wait3A_151, %dma_wait3A_152] : memref<10000x128xf32, #tpu.memory_space<hbm>> -> memref<10000x128xf32, #tpu.memory_space<hbm>>
        tpu.wait_indirect_dma semaphore(%arg31 : memref<!tpu.dma_semaphore, #tpu.memory_space<semaphore_mem>>) src(%dma_wait3A_153 : memref<10000x128xf32, #tpu.memory_space<hbm>>) dst(%arg22 : memref<80x128xf32, #tpu.memory_space<vmem>>)
        %dma_start3A_154 = arith.constant 0 : i32
        %dma_start3A_155 = arith.constant 0 : i32
        %dma_start3A_156 = tpu.memref_slice %arg8[%dma_start3A_154, %dma_start3A_155] : memref<10000x128xf32, #tpu.memory_space<vmem_shared>> -> memref<10000x128xf32, #tpu.memory_space<vmem_shared>>
        tpu.enqueue_indirect_dma source(%arg22 : memref<80x128xf32, #tpu.memory_space<vmem>>) target(%dma_start3A_156 : memref<10000x128xf32, #tpu.memory_space<vmem_shared>>) offsets(%arg19 : memref<80xi32, #tpu.memory_space<vmem>>) semaphore(%arg34 : memref<!tpu.dma_semaphore, #tpu.memory_space<semaphore_mem>>) {add = true}
        %broadcast_in_dim3A_157 = arith.constant 0 : i32
        %broadcast_in_dim3A_158 = vector.broadcast %broadcast_in_dim3A_157 : i32 to vector<16xi32>
        %get3A = arith.constant 0 : index
        %get3A_159 = tpu.vector_load %arg19[%get3A] {strides = array<i32>} : memref<80xi32, #tpu.memory_space<vmem>>, vector<16xi32>,
        %broadcast_in_dim3A_160 = arith.constant true
        %broadcast_in_dim3A_161 = vector.broadcast %broadcast_in_dim3A_160 : i1 to vector<16xi1>
        %unique3A, %unique3A_162 = tpu.scan_count mask(%broadcast_in_dim3A_161 : vector<16xi1>) value(%get3A_159 : vector<16xi32>) : vector<16xi1>, vector<16xi32>
        tpu.vector_store_idx %arg9[%broadcast_in_dim3A_158, %get3A_159], %unique3A_162 masked %unique3A {add = true} : memref<1x10000xi32, #tpu.memory_space<vmem>>[vector<16xi32>, vector<16xi32>], vector<16xi32>, vector<16xi1>
        %get3A_163 = arith.constant 16 : index
        %get3A_164 = tpu.vector_load %arg19[%get3A_163] {strides = array<i32>} : memref<80xi32, #tpu.memory_space<vmem>>, vector<16xi32>,
        %broadcast_in_dim3A_165 = arith.constant true
        %broadcast_in_dim3A_166 = vector.broadcast %broadcast_in_dim3A_165 : i1 to vector<16xi1>
        %unique3A_167, %unique3A_168 = tpu.scan_count mask(%broadcast_in_dim3A_166 : vector<16xi1>) value(%get3A_164 : vector<16xi32>) : vector<16xi1>, vector<16xi32>
        tpu.vector_store_idx %arg9[%broadcast_in_dim3A_158, %get3A_164], %unique3A_168 masked %unique3A_167 {add = true} : memref<1x10000xi32, #tpu.memory_space<vmem>>[vector<16xi32>, vector<16xi32>], vector<16xi32>, vector<16xi1>
        %get3A_169 = arith.constant 32 : index
        %get3A_170 = tpu.vector_load %arg19[%get3A_169] {strides = array<i32>} : memref<80xi32, #tpu.memory_space<vmem>>, vector<16xi32>,
        %broadcast_in_dim3A_171 = arith.constant true
        %broadcast_in_dim3A_172 = vector.broadcast %broadcast_in_dim3A_171 : i1 to vector<16xi1>
        %unique3A_173, %unique3A_174 = tpu.scan_count mask(%broadcast_in_dim3A_172 : vector<16xi1>) value(%get3A_170 : vector<16xi32>) : vector<16xi1>, vector<16xi32>
        tpu.vector_store_idx %arg9[%broadcast_in_dim3A_158, %get3A_170], %unique3A_174 masked %unique3A_173 {add = true} : memref<1x10000xi32, #tpu.memory_space<vmem>>[vector<16xi32>, vector<16xi32>], vector<16xi32>, vector<16xi1>
        %get3A_175 = arith.constant 48 : index
        %get3A_176 = tpu.vector_load %arg19[%get3A_175] {strides = array<i32>} : memref<80xi32, #tpu.memory_space<vmem>>, vector<16xi32>,
        %broadcast_in_dim3A_177 = arith.constant true
        %broadcast_in_dim3A_178 = vector.broadcast %broadcast_in_dim3A_177 : i1 to vector<16xi1>
        %unique3A_179, %unique3A_180 = tpu.scan_count mask(%broadcast_in_dim3A_178 : vector<16xi1>) value(%get3A_176 : vector<16xi32>) : vector<16xi1>, vector<16xi32>
        tpu.vector_store_idx %arg9[%broadcast_in_dim3A_158, %get3A_176], %unique3A_180 masked %unique3A_179 {add = true} : memref<1x10000xi32, #tpu.memory_space<vmem>>[vector<16xi32>, vector<16xi32>], vector<16xi32>, vector<16xi1>
        %get3A_181 = arith.constant 64 : index
        %get3A_182 = tpu.vector_load %arg19[%get3A_181] {strides = array<i32>} : memref<80xi32, #tpu.memory_space<vmem>>, vector<16xi32>,
        %broadcast_in_dim3A_183 = arith.constant true
        %broadcast_in_dim3A_184 = vector.broadcast %broadcast_in_dim3A_183 : i1 to vector<16xi1>
        %unique3A_185, %unique3A_186 = tpu.scan_count mask(%broadcast_in_dim3A_184 : vector<16xi1>) value(%get3A_182 : vector<16xi32>) : vector<16xi1>, vector<16xi32>
        tpu.vector_store_idx %arg9[%broadcast_in_dim3A_158, %get3A_182], %unique3A_186 masked %unique3A_185 {add = true} : memref<1x10000xi32, #tpu.memory_space<vmem>>[vector<16xi32>, vector<16xi32>], vector<16xi32>, vector<16xi1>
        %ge3A = arith.constant 1 : i32
        %ge3A_187 = arith.cmpi sge, %add3A_131, %ge3A : i32
        %convert_element_type3A_188 = arith.extui %ge3A_187 : i1 to i32
        %cond3A_189 = arith.constant 0 : i32
        %cond3A_190 = arith.cmpi ne, %convert_element_type3A_188, %cond3A_189 : i32
        scf.if %cond3A_190 {
          %dma_wait3A_205 = arith.constant 0 : i32
          %dma_wait3A_206 = arith.constant 0 : i32
          %dma_wait3A_207 = tpu.memref_slice %arg8[%dma_wait3A_205, %dma_wait3A_206] : memref<10000x128xf32, #tpu.memory_space<vmem_shared>> -> memref<10000x128xf32, #tpu.memory_space<vmem_shared>>
          tpu.wait_indirect_dma semaphore(%arg36 : memref<!tpu.dma_semaphore, #tpu.memory_space<semaphore_mem>>) src(%arg24 : memref<80x128xf32, #tpu.memory_space<vmem>>) dst(%dma_wait3A_207 : memref<10000x128xf32, #tpu.memory_space<vmem_shared>>)
        } else {
        }
        %add3A_191 = arith.constant 3 : i32
        %add3A_192 = arith.addi %add3A_131, %add3A_191 : i32
        %lt3A_193 = arith.constant 125 : i32
        %lt3A_194 = arith.cmpi slt, %add3A_192, %lt3A_193 : i32
        %convert_element_type3A_195 = arith.extui %lt3A_194 : i1 to i32
        %cond3A_196 = arith.constant 0 : i32
        %cond3A_197 = arith.cmpi ne, %convert_element_type3A_195, %cond3A_196 : i32
        scf.if %cond3A_197 {
          %add3A_205 = arith.constant 3 : i32
          %add3A_206 = arith.addi %add3A_131, %add3A_205 : i32
          %dma_start3A_207 = arith.constant 0 : i32
          %dma_start3A_208 = tpu.memref_slice %arg2[%add3A, %add3A_206, %dma_start3A_207] : memref<32x125x80xi32, #tpu.memory_space<hbm>> -> memref<1x1x80xi32, #tpu.memory_space<hbm>>
          %dma_start3A_209 = tpu.memref_squeeze %dma_start3A_208 : memref<1x1x80xi32, #tpu.memory_space<hbm>> -> memref<80xi32, #tpu.memory_space<hbm>>
          %dma_start3A_210 = arith.constant 0 : i32
          %dma_start3A_211 = tpu.memref_slice %arg2[%add3A, %add3A_206, %dma_start3A_210] : memref<32x125x80xi32, #tpu.memory_space<hbm>> -> memref<1x1x80xi32, #tpu.memory_space<hbm>>
          %dma_start3A_212 = tpu.memref_squeeze %dma_start3A_211 : memref<1x1x80xi32, #tpu.memory_space<hbm>> -> memref<80xi32, #tpu.memory_space<hbm>>
          tpu.enqueue_dma source(%dma_start3A_212 : memref<80xi32, #tpu.memory_space<hbm>>) target(%arg10 : memref<80xi32, #tpu.memory_space<vmem>>) target_semaphore(%arg25 : memref<!tpu.dma_semaphore, #tpu.memory_space<semaphore_mem>>)
          %dma_start3A_213 = arith.constant 0 : i32
          %dma_start3A_214 = tpu.memref_slice %arg3[%add3A, %add3A_206, %dma_start3A_213] : memref<32x125x80xi32, #tpu.memory_space<hbm>> -> memref<1x1x80xi32, #tpu.memory_space<hbm>>
          %dma_start3A_215 = tpu.memref_squeeze %dma_start3A_214 : memref<1x1x80xi32, #tpu.memory_space<hbm>> -> memref<80xi32, #tpu.memory_space<hbm>>
          %dma_start3A_216 = arith.constant 0 : i32
          %dma_start3A_217 = tpu.memref_slice %arg3[%add3A, %add3A_206, %dma_start3A_216] : memref<32x125x80xi32, #tpu.memory_space<hbm>> -> memref<1x1x80xi32, #tpu.memory_space<hbm>>
          %dma_start3A_218 = tpu.memref_squeeze %dma_start3A_217 : memref<1x1x80xi32, #tpu.memory_space<hbm>> -> memref<80xi32, #tpu.memory_space<hbm>>
          tpu.enqueue_dma source(%dma_start3A_218 : memref<80xi32, #tpu.memory_space<hbm>>) target(%arg16 : memref<80xi32, #tpu.memory_space<vmem>>) target_semaphore(%arg25 : memref<!tpu.dma_semaphore, #tpu.memory_space<semaphore_mem>>)
        } else {
        }
        %add3A_198 = arith.constant 2 : i32
        %add3A_199 = arith.addi %add3A_131, %add3A_198 : i32
        %lt3A_200 = arith.constant 125 : i32
        %lt3A_201 = arith.cmpi slt, %add3A_199, %lt3A_200 : i32
        %convert_element_type3A_202 = arith.extui %lt3A_201 : i1 to i32
        %cond3A_203 = arith.constant 0 : i32
        %cond3A_204 = arith.cmpi ne, %convert_element_type3A_202, %cond3A_203 : i32
        scf.if %cond3A_204 {
          %dma_wait3A_205 = arith.constant 0 : i32
          %dma_wait3A_206 = arith.constant 0 : i32
          %dma_wait3A_207 = tpu.memref_slice %arg2[%add3A, %dma_wait3A_205, %dma_wait3A_206] : memref<32x125x80xi32, #tpu.memory_space<hbm>> -> memref<1x1x80xi32, #tpu.memory_space<hbm>>
          %dma_wait3A_208 = tpu.memref_squeeze %dma_wait3A_207 : memref<1x1x80xi32, #tpu.memory_space<hbm>> -> memref<80xi32, #tpu.memory_space<hbm>>
          %dma_wait3A_209 = arith.constant 0 : i32
          %dma_wait3A_210 = tpu.memref_slice %arg2[%add3A, %dma_wait3A_205, %dma_wait3A_209] : memref<32x125x80xi32, #tpu.memory_space<hbm>> -> memref<1x1x80xi32, #tpu.memory_space<hbm>>
          %dma_wait3A_211 = tpu.memref_squeeze %dma_wait3A_210 : memref<1x1x80xi32, #tpu.memory_space<hbm>> -> memref<80xi32, #tpu.memory_space<hbm>>
          tpu.wait_dma2 semaphore(%arg30 : memref<!tpu.dma_semaphore, #tpu.memory_space<semaphore_mem>>) src(%dma_wait3A_211 : memref<80xi32, #tpu.memory_space<hbm>>) dst(%arg15 : memref<80xi32, #tpu.memory_space<vmem>>)
          %dma_wait3A_212 = arith.constant 0 : i32
          %dma_wait3A_213 = arith.constant 0 : i32
          %dma_wait3A_214 = tpu.memref_slice %arg3[%add3A, %dma_wait3A_212, %dma_wait3A_213] : memref<32x125x80xi32, #tpu.memory_space<hbm>> -> memref<1x1x80xi32, #tpu.memory_space<hbm>>
          %dma_wait3A_215 = tpu.memref_squeeze %dma_wait3A_214 : memref<1x1x80xi32, #tpu.memory_space<hbm>> -> memref<80xi32, #tpu.memory_space<hbm>>
          %dma_wait3A_216 = arith.constant 0 : i32
          %dma_wait3A_217 = tpu.memref_slice %arg3[%add3A, %dma_wait3A_212, %dma_wait3A_216] : memref<32x125x80xi32, #tpu.memory_space<hbm>> -> memref<1x1x80xi32, #tpu.memory_space<hbm>>
          %dma_wait3A_218 = tpu.memref_squeeze %dma_wait3A_217 : memref<1x1x80xi32, #tpu.memory_space<hbm>> -> memref<80xi32, #tpu.memory_space<hbm>>
          tpu.wait_dma2 semaphore(%arg30 : memref<!tpu.dma_semaphore, #tpu.memory_space<semaphore_mem>>) src(%dma_wait3A_218 : memref<80xi32, #tpu.memory_space<hbm>>) dst(%arg21 : memref<80xi32, #tpu.memory_space<vmem>>)
          %dma_start3A_219 = arith.constant 0 : i32
          %dma_start3A_220 = arith.constant 0 : i32
          %dma_start3A_221 = tpu.memref_slice %arg4[%dma_start3A_219, %dma_start3A_220] : memref<10000x128xf32, #tpu.memory_space<hbm>> -> memref<10000x128xf32, #tpu.memory_space<hbm>>
          tpu.enqueue_indirect_dma source(%dma_start3A_221 : memref<10000x128xf32, #tpu.memory_space<hbm>>) target(%arg24 : memref<80x128xf32, #tpu.memory_space<vmem>>) offsets(%arg15 : memref<80xi32, #tpu.memory_space<vmem>>) semaphore(%arg33 : memref<!tpu.dma_semaphore, #tpu.memory_space<semaphore_mem>>)
        } else {
        }
      } else {
      }
      %add3A_137 = arith.constant 4 : i32
      %add3A_138 = arith.addi %add3A_109, %add3A_137 : i32
      %lt3A_139 = arith.constant 125 : i32
      %lt3A_140 = arith.cmpi slt, %add3A_138, %lt3A_139 : i32
      %convert_element_type3A_141 = arith.extui %lt3A_140 : i1 to i32
      %cond3A_142 = arith.constant 0 : i32
      %cond3A_143 = arith.cmpi ne, %convert_element_type3A_141, %cond3A_142 : i32
      scf.if %cond3A_143 {
        %dma_wait3A_151 = arith.constant 0 : i32
        %dma_wait3A_152 = arith.constant 0 : i32
        %dma_wait3A_153 = tpu.memref_slice %arg4[%dma_wait3A_151, %dma_wait3A_152] : memref<10000x128xf32, #tpu.memory_space<hbm>> -> memref<10000x128xf32, #tpu.memory_space<hbm>>
        tpu.wait_indirect_dma semaphore(%arg32 : memref<!tpu.dma_semaphore, #tpu.memory_space<semaphore_mem>>) src(%dma_wait3A_153 : memref<10000x128xf32, #tpu.memory_space<hbm>>) dst(%arg23 : memref<80x128xf32, #tpu.memory_space<vmem>>)
        %dma_start3A_154 = arith.constant 0 : i32
        %dma_start3A_155 = arith.constant 0 : i32
        %dma_start3A_156 = tpu.memref_slice %arg8[%dma_start3A_154, %dma_start3A_155] : memref<10000x128xf32, #tpu.memory_space<vmem_shared>> -> memref<10000x128xf32, #tpu.memory_space<vmem_shared>>
        tpu.enqueue_indirect_dma source(%arg23 : memref<80x128xf32, #tpu.memory_space<vmem>>) target(%dma_start3A_156 : memref<10000x128xf32, #tpu.memory_space<vmem_shared>>) offsets(%arg20 : memref<80xi32, #tpu.memory_space<vmem>>) semaphore(%arg35 : memref<!tpu.dma_semaphore, #tpu.memory_space<semaphore_mem>>) {add = true}
        %broadcast_in_dim3A_157 = arith.constant 0 : i32
        %broadcast_in_dim3A_158 = vector.broadcast %broadcast_in_dim3A_157 : i32 to vector<16xi32>
        %get3A = arith.constant 0 : index
        %get3A_159 = tpu.vector_load %arg20[%get3A] {strides = array<i32>} : memref<80xi32, #tpu.memory_space<vmem>>, vector<16xi32>,
        %broadcast_in_dim3A_160 = arith.constant true
        %broadcast_in_dim3A_161 = vector.broadcast %broadcast_in_dim3A_160 : i1 to vector<16xi1>
        %unique3A, %unique3A_162 = tpu.scan_count mask(%broadcast_in_dim3A_161 : vector<16xi1>) value(%get3A_159 : vector<16xi32>) : vector<16xi1>, vector<16xi32>
        tpu.vector_store_idx %arg9[%broadcast_in_dim3A_158, %get3A_159], %unique3A_162 masked %unique3A {add = true} : memref<1x10000xi32, #tpu.memory_space<vmem>>[vector<16xi32>, vector<16xi32>], vector<16xi32>, vector<16xi1>
        %get3A_163 = arith.constant 16 : index
        %get3A_164 = tpu.vector_load %arg20[%get3A_163] {strides = array<i32>} : memref<80xi32, #tpu.memory_space<vmem>>, vector<16xi32>,
        %broadcast_in_dim3A_165 = arith.constant true
        %broadcast_in_dim3A_166 = vector.broadcast %broadcast_in_dim3A_165 : i1 to vector<16xi1>
        %unique3A_167, %unique3A_168 = tpu.scan_count mask(%broadcast_in_dim3A_166 : vector<16xi1>) value(%get3A_164 : vector<16xi32>) : vector<16xi1>, vector<16xi32>
        tpu.vector_store_idx %arg9[%broadcast_in_dim3A_158, %get3A_164], %unique3A_168 masked %unique3A_167 {add = true} : memref<1x10000xi32, #tpu.memory_space<vmem>>[vector<16xi32>, vector<16xi32>], vector<16xi32>, vector<16xi1>
        %get3A_169 = arith.constant 32 : index
        %get3A_170 = tpu.vector_load %arg20[%get3A_169] {strides = array<i32>} : memref<80xi32, #tpu.memory_space<vmem>>, vector<16xi32>,
        %broadcast_in_dim3A_171 = arith.constant true
        %broadcast_in_dim3A_172 = vector.broadcast %broadcast_in_dim3A_171 : i1 to vector<16xi1>
        %unique3A_173, %unique3A_174 = tpu.scan_count mask(%broadcast_in_dim3A_172 : vector<16xi1>) value(%get3A_170 : vector<16xi32>) : vector<16xi1>, vector<16xi32>
        tpu.vector_store_idx %arg9[%broadcast_in_dim3A_158, %get3A_170], %unique3A_174 masked %unique3A_173 {add = true} : memref<1x10000xi32, #tpu.memory_space<vmem>>[vector<16xi32>, vector<16xi32>], vector<16xi32>, vector<16xi1>
        %get3A_175 = arith.constant 48 : index
        %get3A_176 = tpu.vector_load %arg20[%get3A_175] {strides = array<i32>} : memref<80xi32, #tpu.memory_space<vmem>>, vector<16xi32>,
        %broadcast_in_dim3A_177 = arith.constant true
        %broadcast_in_dim3A_178 = vector.broadcast %broadcast_in_dim3A_177 : i1 to vector<16xi1>
        %unique3A_179, %unique3A_180 = tpu.scan_count mask(%broadcast_in_dim3A_178 : vector<16xi1>) value(%get3A_176 : vector<16xi32>) : vector<16xi1>, vector<16xi32>
        tpu.vector_store_idx %arg9[%broadcast_in_dim3A_158, %get3A_176], %unique3A_180 masked %unique3A_179 {add = true} : memref<1x10000xi32, #tpu.memory_space<vmem>>[vector<16xi32>, vector<16xi32>], vector<16xi32>, vector<16xi1>
        %get3A_181 = arith.constant 64 : index
        %get3A_182 = tpu.vector_load %arg20[%get3A_181] {strides = array<i32>} : memref<80xi32, #tpu.memory_space<vmem>>, vector<16xi32>,
        %broadcast_in_dim3A_183 = arith.constant true
        %broadcast_in_dim3A_184 = vector.broadcast %broadcast_in_dim3A_183 : i1 to vector<16xi1>
        %unique3A_185, %unique3A_186 = tpu.scan_count mask(%broadcast_in_dim3A_184 : vector<16xi1>) value(%get3A_182 : vector<16xi32>) : vector<16xi1>, vector<16xi32>
        tpu.vector_store_idx %arg9[%broadcast_in_dim3A_158, %get3A_182], %unique3A_186 masked %unique3A_185 {add = true} : memref<1x10000xi32, #tpu.memory_space<vmem>>[vector<16xi32>, vector<16xi32>], vector<16xi32>, vector<16xi1>
        %ge3A = arith.constant 1 : i32
        %ge3A_187 = arith.cmpi sge, %add3A_138, %ge3A : i32
        %convert_element_type3A_188 = arith.extui %ge3A_187 : i1 to i32
        %cond3A_189 = arith.constant 0 : i32
        %cond3A_190 = arith.cmpi ne, %convert_element_type3A_188, %cond3A_189 : i32
        scf.if %cond3A_190 {
          %dma_wait3A_205 = arith.constant 0 : i32
          %dma_wait3A_206 = arith.constant 0 : i32
          %dma_wait3A_207 = tpu.memref_slice %arg8[%dma_wait3A_205, %dma_wait3A_206] : memref<10000x128xf32, #tpu.memory_space<vmem_shared>> -> memref<10000x128xf32, #tpu.memory_space<vmem_shared>>
          tpu.wait_indirect_dma semaphore(%arg34 : memref<!tpu.dma_semaphore, #tpu.memory_space<semaphore_mem>>) src(%arg22 : memref<80x128xf32, #tpu.memory_space<vmem>>) dst(%dma_wait3A_207 : memref<10000x128xf32, #tpu.memory_space<vmem_shared>>)
        } else {
        }
        %add3A_191 = arith.constant 3 : i32
        %add3A_192 = arith.addi %add3A_138, %add3A_191 : i32
        %lt3A_193 = arith.constant 125 : i32
        %lt3A_194 = arith.cmpi slt, %add3A_192, %lt3A_193 : i32
        %convert_element_type3A_195 = arith.extui %lt3A_194 : i1 to i32
        %cond3A_196 = arith.constant 0 : i32
        %cond3A_197 = arith.cmpi ne, %convert_element_type3A_195, %cond3A_196 : i32
        scf.if %cond3A_197 {
          %add3A_205 = arith.constant 3 : i32
          %add3A_206 = arith.addi %add3A_138, %add3A_205 : i32
          %dma_start3A_207 = arith.constant 0 : i32
          %dma_start3A_208 = tpu.memref_slice %arg2[%add3A, %add3A_206, %dma_start3A_207] : memref<32x125x80xi32, #tpu.memory_space<hbm>> -> memref<1x1x80xi32, #tpu.memory_space<hbm>>
          %dma_start3A_209 = tpu.memref_squeeze %dma_start3A_208 : memref<1x1x80xi32, #tpu.memory_space<hbm>> -> memref<80xi32, #tpu.memory_space<hbm>>
          %dma_start3A_210 = arith.constant 0 : i32
          %dma_start3A_211 = tpu.memref_slice %arg2[%add3A, %add3A_206, %dma_start3A_210] : memref<32x125x80xi32, #tpu.memory_space<hbm>> -> memref<1x1x80xi32, #tpu.memory_space<hbm>>
          %dma_start3A_212 = tpu.memref_squeeze %dma_start3A_211 : memref<1x1x80xi32, #tpu.memory_space<hbm>> -> memref<80xi32, #tpu.memory_space<hbm>>
          tpu.enqueue_dma source(%dma_start3A_212 : memref<80xi32, #tpu.memory_space<hbm>>) target(%arg11 : memref<80xi32, #tpu.memory_space<vmem>>) target_semaphore(%arg26 : memref<!tpu.dma_semaphore, #tpu.memory_space<semaphore_mem>>)
          %dma_start3A_213 = arith.constant 0 : i32
          %dma_start3A_214 = tpu.memref_slice %arg3[%add3A, %add3A_206, %dma_start3A_213] : memref<32x125x80xi32, #tpu.memory_space<hbm>> -> memref<1x1x80xi32, #tpu.memory_space<hbm>>
          %dma_start3A_215 = tpu.memref_squeeze %dma_start3A_214 : memref<1x1x80xi32, #tpu.memory_space<hbm>> -> memref<80xi32, #tpu.memory_space<hbm>>
          %dma_start3A_216 = arith.constant 0 : i32
          %dma_start3A_217 = tpu.memref_slice %arg3[%add3A, %add3A_206, %dma_start3A_216] : memref<32x125x80xi32, #tpu.memory_space<hbm>> -> memref<1x1x80xi32, #tpu.memory_space<hbm>>
          %dma_start3A_218 = tpu.memref_squeeze %dma_start3A_217 : memref<1x1x80xi32, #tpu.memory_space<hbm>> -> memref<80xi32, #tpu.memory_space<hbm>>
          tpu.enqueue_dma source(%dma_start3A_218 : memref<80xi32, #tpu.memory_space<hbm>>) target(%arg17 : memref<80xi32, #tpu.memory_space<vmem>>) target_semaphore(%arg26 : memref<!tpu.dma_semaphore, #tpu.memory_space<semaphore_mem>>)
        } else {
        }
        %add3A_198 = arith.constant 2 : i32
        %add3A_199 = arith.addi %add3A_138, %add3A_198 : i32
        %lt3A_200 = arith.constant 125 : i32
        %lt3A_201 = arith.cmpi slt, %add3A_199, %lt3A_200 : i32
        %convert_element_type3A_202 = arith.extui %lt3A_201 : i1 to i32
        %cond3A_203 = arith.constant 0 : i32
        %cond3A_204 = arith.cmpi ne, %convert_element_type3A_202, %cond3A_203 : i32
        scf.if %cond3A_204 {
          %dma_wait3A_205 = arith.constant 0 : i32
          %dma_wait3A_206 = arith.constant 0 : i32
          %dma_wait3A_207 = tpu.memref_slice %arg2[%add3A, %dma_wait3A_205, %dma_wait3A_206] : memref<32x125x80xi32, #tpu.memory_space<hbm>> -> memref<1x1x80xi32, #tpu.memory_space<hbm>>
          %dma_wait3A_208 = tpu.memref_squeeze %dma_wait3A_207 : memref<1x1x80xi32, #tpu.memory_space<hbm>> -> memref<80xi32, #tpu.memory_space<hbm>>
          %dma_wait3A_209 = arith.constant 0 : i32
          %dma_wait3A_210 = tpu.memref_slice %arg2[%add3A, %dma_wait3A_205, %dma_wait3A_209] : memref<32x125x80xi32, #tpu.memory_space<hbm>> -> memref<1x1x80xi32, #tpu.memory_space<hbm>>
          %dma_wait3A_211 = tpu.memref_squeeze %dma_wait3A_210 : memref<1x1x80xi32, #tpu.memory_space<hbm>> -> memref<80xi32, #tpu.memory_space<hbm>>
          tpu.wait_dma2 semaphore(%arg25 : memref<!tpu.dma_semaphore, #tpu.memory_space<semaphore_mem>>) src(%dma_wait3A_211 : memref<80xi32, #tpu.memory_space<hbm>>) dst(%arg10 : memref<80xi32, #tpu.memory_space<vmem>>)
          %dma_wait3A_212 = arith.constant 0 : i32
          %dma_wait3A_213 = arith.constant 0 : i32
          %dma_wait3A_214 = tpu.memref_slice %arg3[%add3A, %dma_wait3A_212, %dma_wait3A_213] : memref<32x125x80xi32, #tpu.memory_space<hbm>> -> memref<1x1x80xi32, #tpu.memory_space<hbm>>
          %dma_wait3A_215 = tpu.memref_squeeze %dma_wait3A_214 : memref<1x1x80xi32, #tpu.memory_space<hbm>> -> memref<80xi32, #tpu.memory_space<hbm>>
          %dma_wait3A_216 = arith.constant 0 : i32
          %dma_wait3A_217 = tpu.memref_slice %arg3[%add3A, %dma_wait3A_212, %dma_wait3A_216] : memref<32x125x80xi32, #tpu.memory_space<hbm>> -> memref<1x1x80xi32, #tpu.memory_space<hbm>>
          %dma_wait3A_218 = tpu.memref_squeeze %dma_wait3A_217 : memref<1x1x80xi32, #tpu.memory_space<hbm>> -> memref<80xi32, #tpu.memory_space<hbm>>
          tpu.wait_dma2 semaphore(%arg25 : memref<!tpu.dma_semaphore, #tpu.memory_space<semaphore_mem>>) src(%dma_wait3A_218 : memref<80xi32, #tpu.memory_space<hbm>>) dst(%arg16 : memref<80xi32, #tpu.memory_space<vmem>>)
          %dma_start3A_219 = arith.constant 0 : i32
          %dma_start3A_220 = arith.constant 0 : i32
          %dma_start3A_221 = tpu.memref_slice %arg4[%dma_start3A_219, %dma_start3A_220] : memref<10000x128xf32, #tpu.memory_space<hbm>> -> memref<10000x128xf32, #tpu.memory_space<hbm>>
          tpu.enqueue_indirect_dma source(%dma_start3A_221 : memref<10000x128xf32, #tpu.memory_space<hbm>>) target(%arg22 : memref<80x128xf32, #tpu.memory_space<vmem>>) offsets(%arg10 : memref<80xi32, #tpu.memory_space<vmem>>) semaphore(%arg31 : memref<!tpu.dma_semaphore, #tpu.memory_space<semaphore_mem>>)
        } else {
        }
      } else {
      }
      %add3A_144 = arith.constant 5 : i32
      %add3A_145 = arith.addi %add3A_109, %add3A_144 : i32
      %lt3A_146 = arith.constant 125 : i32
      %lt3A_147 = arith.cmpi slt, %add3A_145, %lt3A_146 : i32
      %convert_element_type3A_148 = arith.extui %lt3A_147 : i1 to i32
      %cond3A_149 = arith.constant 0 : i32
      %cond3A_150 = arith.cmpi ne, %convert_element_type3A_148, %cond3A_149 : i32
      scf.if %cond3A_150 {
        %dma_wait3A_151 = arith.constant 0 : i32
        %dma_wait3A_152 = arith.constant 0 : i32
        %dma_wait3A_153 = tpu.memref_slice %arg4[%dma_wait3A_151, %dma_wait3A_152] : memref<10000x128xf32, #tpu.memory_space<hbm>> -> memref<10000x128xf32, #tpu.memory_space<hbm>>
        tpu.wait_indirect_dma semaphore(%arg33 : memref<!tpu.dma_semaphore, #tpu.memory_space<semaphore_mem>>) src(%dma_wait3A_153 : memref<10000x128xf32, #tpu.memory_space<hbm>>) dst(%arg24 : memref<80x128xf32, #tpu.memory_space<vmem>>)
        %dma_start3A_154 = arith.constant 0 : i32
        %dma_start3A_155 = arith.constant 0 : i32
        %dma_start3A_156 = tpu.memref_slice %arg8[%dma_start3A_154, %dma_start3A_155] : memref<10000x128xf32, #tpu.memory_space<vmem_shared>> -> memref<10000x128xf32, #tpu.memory_space<vmem_shared>>
        tpu.enqueue_indirect_dma source(%arg24 : memref<80x128xf32, #tpu.memory_space<vmem>>) target(%dma_start3A_156 : memref<10000x128xf32, #tpu.memory_space<vmem_shared>>) offsets(%arg21 : memref<80xi32, #tpu.memory_space<vmem>>) semaphore(%arg36 : memref<!tpu.dma_semaphore, #tpu.memory_space<semaphore_mem>>) {add = true}
        %broadcast_in_dim3A_157 = arith.constant 0 : i32
        %broadcast_in_dim3A_158 = vector.broadcast %broadcast_in_dim3A_157 : i32 to vector<16xi32>
        %get3A = arith.constant 0 : index
        %get3A_159 = tpu.vector_load %arg21[%get3A] {strides = array<i32>} : memref<80xi32, #tpu.memory_space<vmem>>, vector<16xi32>,
        %broadcast_in_dim3A_160 = arith.constant true
        %broadcast_in_dim3A_161 = vector.broadcast %broadcast_in_dim3A_160 : i1 to vector<16xi1>
        %unique3A, %unique3A_162 = tpu.scan_count mask(%broadcast_in_dim3A_161 : vector<16xi1>) value(%get3A_159 : vector<16xi32>) : vector<16xi1>, vector<16xi32>
        tpu.vector_store_idx %arg9[%broadcast_in_dim3A_158, %get3A_159], %unique3A_162 masked %unique3A {add = true} : memref<1x10000xi32, #tpu.memory_space<vmem>>[vector<16xi32>, vector<16xi32>], vector<16xi32>, vector<16xi1>
        %get3A_163 = arith.constant 16 : index
        %get3A_164 = tpu.vector_load %arg21[%get3A_163] {strides = array<i32>} : memref<80xi32, #tpu.memory_space<vmem>>, vector<16xi32>,
        %broadcast_in_dim3A_165 = arith.constant true
        %broadcast_in_dim3A_166 = vector.broadcast %broadcast_in_dim3A_165 : i1 to vector<16xi1>
        %unique3A_167, %unique3A_168 = tpu.scan_count mask(%broadcast_in_dim3A_166 : vector<16xi1>) value(%get3A_164 : vector<16xi32>) : vector<16xi1>, vector<16xi32>
        tpu.vector_store_idx %arg9[%broadcast_in_dim3A_158, %get3A_164], %unique3A_168 masked %unique3A_167 {add = true} : memref<1x10000xi32, #tpu.memory_space<vmem>>[vector<16xi32>, vector<16xi32>], vector<16xi32>, vector<16xi1>
        %get3A_169 = arith.constant 32 : index
        %get3A_170 = tpu.vector_load %arg21[%get3A_169] {strides = array<i32>} : memref<80xi32, #tpu.memory_space<vmem>>, vector<16xi32>,
        %broadcast_in_dim3A_171 = arith.constant true
        %broadcast_in_dim3A_172 = vector.broadcast %broadcast_in_dim3A_171 : i1 to vector<16xi1>
        %unique3A_173, %unique3A_174 = tpu.scan_count mask(%broadcast_in_dim3A_172 : vector<16xi1>) value(%get3A_170 : vector<16xi32>) : vector<16xi1>, vector<16xi32>
        tpu.vector_store_idx %arg9[%broadcast_in_dim3A_158, %get3A_170], %unique3A_174 masked %unique3A_173 {add = true} : memref<1x10000xi32, #tpu.memory_space<vmem>>[vector<16xi32>, vector<16xi32>], vector<16xi32>, vector<16xi1>
        %get3A_175 = arith.constant 48 : index
        %get3A_176 = tpu.vector_load %arg21[%get3A_175] {strides = array<i32>} : memref<80xi32, #tpu.memory_space<vmem>>, vector<16xi32>,
        %broadcast_in_dim3A_177 = arith.constant true
        %broadcast_in_dim3A_178 = vector.broadcast %broadcast_in_dim3A_177 : i1 to vector<16xi1>
        %unique3A_179, %unique3A_180 = tpu.scan_count mask(%broadcast_in_dim3A_178 : vector<16xi1>) value(%get3A_176 : vector<16xi32>) : vector<16xi1>, vector<16xi32>
        tpu.vector_store_idx %arg9[%broadcast_in_dim3A_158, %get3A_176], %unique3A_180 masked %unique3A_179 {add = true} : memref<1x10000xi32, #tpu.memory_space<vmem>>[vector<16xi32>, vector<16xi32>], vector<16xi32>, vector<16xi1>
        %get3A_181 = arith.constant 64 : index
        %get3A_182 = tpu.vector_load %arg21[%get3A_181] {strides = array<i32>} : memref<80xi32, #tpu.memory_space<vmem>>, vector<16xi32>,
        %broadcast_in_dim3A_183 = arith.constant true
        %broadcast_in_dim3A_184 = vector.broadcast %broadcast_in_dim3A_183 : i1 to vector<16xi1>
        %unique3A_185, %unique3A_186 = tpu.scan_count mask(%broadcast_in_dim3A_184 : vector<16xi1>) value(%get3A_182 : vector<16xi32>) : vector<16xi1>, vector<16xi32>
        tpu.vector_store_idx %arg9[%broadcast_in_dim3A_158, %get3A_182], %unique3A_186 masked %unique3A_185 {add = true} : memref<1x10000xi32, #tpu.memory_space<vmem>>[vector<16xi32>, vector<16xi32>], vector<16xi32>, vector<16xi1>
        %ge3A = arith.constant 1 : i32
        %ge3A_187 = arith.cmpi sge, %add3A_145, %ge3A : i32
        %convert_element_type3A_188 = arith.extui %ge3A_187 : i1 to i32
        %cond3A_189 = arith.constant 0 : i32
        %cond3A_190 = arith.cmpi ne, %convert_element_type3A_188, %cond3A_189 : i32
        scf.if %cond3A_190 {
          %dma_wait3A_205 = arith.constant 0 : i32
          %dma_wait3A_206 = arith.constant 0 : i32
          %dma_wait3A_207 = tpu.memref_slice %arg8[%dma_wait3A_205, %dma_wait3A_206] : memref<10000x128xf32, #tpu.memory_space<vmem_shared>> -> memref<10000x128xf32, #tpu.memory_space<vmem_shared>>
          tpu.wait_indirect_dma semaphore(%arg35 : memref<!tpu.dma_semaphore, #tpu.memory_space<semaphore_mem>>) src(%arg23 : memref<80x128xf32, #tpu.memory_space<vmem>>) dst(%dma_wait3A_207 : memref<10000x128xf32, #tpu.memory_space<vmem_shared>>)
        } else {
        }
        %add3A_191 = arith.constant 3 : i32
        %add3A_192 = arith.addi %add3A_145, %add3A_191 : i32
        %lt3A_193 = arith.constant 125 : i32
        %lt3A_194 = arith.cmpi slt, %add3A_192, %lt3A_193 : i32
        %convert_element_type3A_195 = arith.extui %lt3A_194 : i1 to i32
        %cond3A_196 = arith.constant 0 : i32
        %cond3A_197 = arith.cmpi ne, %convert_element_type3A_195, %cond3A_196 : i32
        scf.if %cond3A_197 {
          %add3A_205 = arith.constant 3 : i32
          %add3A_206 = arith.addi %add3A_145, %add3A_205 : i32
          %dma_start3A_207 = arith.constant 0 : i32
          %dma_start3A_208 = tpu.memref_slice %arg2[%add3A, %add3A_206, %dma_start3A_207] : memref<32x125x80xi32, #tpu.memory_space<hbm>> -> memref<1x1x80xi32, #tpu.memory_space<hbm>>
          %dma_start3A_209 = tpu.memref_squeeze %dma_start3A_208 : memref<1x1x80xi32, #tpu.memory_space<hbm>> -> memref<80xi32, #tpu.memory_space<hbm>>
          %dma_start3A_210 = arith.constant 0 : i32
          %dma_start3A_211 = tpu.memref_slice %arg2[%add3A, %add3A_206, %dma_start3A_210] : memref<32x125x80xi32, #tpu.memory_space<hbm>> -> memref<1x1x80xi32, #tpu.memory_space<hbm>>
          %dma_start3A_212 = tpu.memref_squeeze %dma_start3A_211 : memref<1x1x80xi32, #tpu.memory_space<hbm>> -> memref<80xi32, #tpu.memory_space<hbm>>
          tpu.enqueue_dma source(%dma_start3A_212 : memref<80xi32, #tpu.memory_space<hbm>>) target(%arg12 : memref<80xi32, #tpu.memory_space<vmem>>) target_semaphore(%arg27 : memref<!tpu.dma_semaphore, #tpu.memory_space<semaphore_mem>>)
          %dma_start3A_213 = arith.constant 0 : i32
          %dma_start3A_214 = tpu.memref_slice %arg3[%add3A, %add3A_206, %dma_start3A_213] : memref<32x125x80xi32, #tpu.memory_space<hbm>> -> memref<1x1x80xi32, #tpu.memory_space<hbm>>
          %dma_start3A_215 = tpu.memref_squeeze %dma_start3A_214 : memref<1x1x80xi32, #tpu.memory_space<hbm>> -> memref<80xi32, #tpu.memory_space<hbm>>
          %dma_start3A_216 = arith.constant 0 : i32
          %dma_start3A_217 = tpu.memref_slice %arg3[%add3A, %add3A_206, %dma_start3A_216] : memref<32x125x80xi32, #tpu.memory_space<hbm>> -> memref<1x1x80xi32, #tpu.memory_space<hbm>>
          %dma_start3A_218 = tpu.memref_squeeze %dma_start3A_217 : memref<1x1x80xi32, #tpu.memory_space<hbm>> -> memref<80xi32, #tpu.memory_space<hbm>>
          tpu.enqueue_dma source(%dma_start3A_218 : memref<80xi32, #tpu.memory_space<hbm>>) target(%arg18 : memref<80xi32, #tpu.memory_space<vmem>>) target_semaphore(%arg27 : memref<!tpu.dma_semaphore, #tpu.memory_space<semaphore_mem>>)
        } else {
        }
        %add3A_198 = arith.constant 2 : i32
        %add3A_199 = arith.addi %add3A_145, %add3A_198 : i32
        %lt3A_200 = arith.constant 125 : i32
        %lt3A_201 = arith.cmpi slt, %add3A_199, %lt3A_200 : i32
        %convert_element_type3A_202 = arith.extui %lt3A_201 : i1 to i32
        %cond3A_203 = arith.constant 0 : i32
        %cond3A_204 = arith.cmpi ne, %convert_element_type3A_202, %cond3A_203 : i32
        scf.if %cond3A_204 {
          %dma_wait3A_205 = arith.constant 0 : i32
          %dma_wait3A_206 = arith.constant 0 : i32
          %dma_wait3A_207 = tpu.memref_slice %arg2[%add3A, %dma_wait3A_205, %dma_wait3A_206] : memref<32x125x80xi32, #tpu.memory_space<hbm>> -> memref<1x1x80xi32, #tpu.memory_space<hbm>>
          %dma_wait3A_208 = tpu.memref_squeeze %dma_wait3A_207 : memref<1x1x80xi32, #tpu.memory_space<hbm>> -> memref<80xi32, #tpu.memory_space<hbm>>
          %dma_wait3A_209 = arith.constant 0 : i32
          %dma_wait3A_210 = tpu.memref_slice %arg2[%add3A, %dma_wait3A_205, %dma_wait3A_209] : memref<32x125x80xi32, #tpu.memory_space<hbm>> -> memref<1x1x80xi32, #tpu.memory_space<hbm>>
          %dma_wait3A_211 = tpu.memref_squeeze %dma_wait3A_210 : memref<1x1x80xi32, #tpu.memory_space<hbm>> -> memref<80xi32, #tpu.memory_space<hbm>>
          tpu.wait_dma2 semaphore(%arg26 : memref<!tpu.dma_semaphore, #tpu.memory_space<semaphore_mem>>) src(%dma_wait3A_211 : memref<80xi32, #tpu.memory_space<hbm>>) dst(%arg11 : memref<80xi32, #tpu.memory_space<vmem>>)
          %dma_wait3A_212 = arith.constant 0 : i32
          %dma_wait3A_213 = arith.constant 0 : i32
          %dma_wait3A_214 = tpu.memref_slice %arg3[%add3A, %dma_wait3A_212, %dma_wait3A_213] : memref<32x125x80xi32, #tpu.memory_space<hbm>> -> memref<1x1x80xi32, #tpu.memory_space<hbm>>
          %dma_wait3A_215 = tpu.memref_squeeze %dma_wait3A_214 : memref<1x1x80xi32, #tpu.memory_space<hbm>> -> memref<80xi32, #tpu.memory_space<hbm>>
          %dma_wait3A_216 = arith.constant 0 : i32
          %dma_wait3A_217 = tpu.memref_slice %arg3[%add3A, %dma_wait3A_212, %dma_wait3A_216] : memref<32x125x80xi32, #tpu.memory_space<hbm>> -> memref<1x1x80xi32, #tpu.memory_space<hbm>>
          %dma_wait3A_218 = tpu.memref_squeeze %dma_wait3A_217 : memref<1x1x80xi32, #tpu.memory_space<hbm>> -> memref<80xi32, #tpu.memory_space<hbm>>
          tpu.wait_dma2 semaphore(%arg26 : memref<!tpu.dma_semaphore, #tpu.memory_space<semaphore_mem>>) src(%dma_wait3A_218 : memref<80xi32, #tpu.memory_space<hbm>>) dst(%arg17 : memref<80xi32, #tpu.memory_space<vmem>>)
          %dma_start3A_219 = arith.constant 0 : i32
          %dma_start3A_220 = arith.constant 0 : i32
          %dma_start3A_221 = tpu.memref_slice %arg4[%dma_start3A_219, %dma_start3A_220] : memref<10000x128xf32, #tpu.memory_space<hbm>> -> memref<10000x128xf32, #tpu.memory_space<hbm>>
          tpu.enqueue_indirect_dma source(%dma_start3A_221 : memref<10000x128xf32, #tpu.memory_space<hbm>>) target(%arg23 : memref<80x128xf32, #tpu.memory_space<vmem>>) offsets(%arg11 : memref<80xi32, #tpu.memory_space<vmem>>) semaphore(%arg32 : memref<!tpu.dma_semaphore, #tpu.memory_space<semaphore_mem>>)
        } else {
        }
      } else {
      }
    }
    %scan3A_91 = arith.constant 22 : i32
    %dma_wait3A_92 = arith.constant 0 : i32
    %dma_wait3A_93 = arith.constant 0 : i32
    %dma_wait3A_94 = tpu.memref_slice %arg8[%dma_wait3A_92, %dma_wait3A_93] : memref<10000x128xf32, #tpu.memory_space<vmem_shared>> -> memref<10000x128xf32, #tpu.memory_space<vmem_shared>>
    tpu.wait_indirect_dma semaphore(%arg35 : memref<!tpu.dma_semaphore, #tpu.memory_space<semaphore_mem>>) src(%arg23 : memref<80x128xf32, #tpu.memory_space<vmem>>) dst(%dma_wait3A_94 : memref<10000x128xf32, #tpu.memory_space<vmem_shared>>)
    %barrier3A_95 = arith.constant 0 : index
    tpu.barrier barrier_id(%barrier3A_95)
    %mul3A_96 = arith.constant 624 : i32
    %mul3A_97 = arith.muli %arg1, %mul3A_96 : i32
    %mul3A_98 = arith.constant 624 : i32
    %mul3A_99 = arith.muli %arg1, %mul3A_98 : i32
    "tpu.region"() ({
      %run_scoped3A = tpu.sem_alloc : memref<!tpu.dma_semaphore, #tpu.memory_space<semaphore_mem>>
      %dma_start3A_105 = arith.constant 0 : i32
      %dma_start3A_106 = tpu.memref_slice %arg6[%arg0, %mul3A_99, %dma_start3A_105] : memref<2x10000x128xf32, #tpu.memory_space<hbm>> -> memref<1x624x128xf32, #tpu.memory_space<hbm>>
      %dma_start3A_107 = tpu.memref_squeeze %dma_start3A_106 : memref<1x624x128xf32, #tpu.memory_space<hbm>> -> memref<624x128xf32, #tpu.memory_space<hbm>>
      %dma_start3A_108 = arith.constant 0 : i32
      %dma_start3A_109 = tpu.memref_slice %arg8[%mul3A_97, %dma_start3A_108] : memref<10000x128xf32, #tpu.memory_space<vmem_shared>> -> memref<624x128xf32, #tpu.memory_space<vmem_shared>>
      tpu.enqueue_dma source(%dma_start3A_109 : memref<624x128xf32, #tpu.memory_space<vmem_shared>>) target(%dma_start3A_107 : memref<624x128xf32, #tpu.memory_space<hbm>>) target_semaphore(%run_scoped3A : memref<!tpu.dma_semaphore, #tpu.memory_space<semaphore_mem>>)
      %dma_wait3A_110 = arith.constant 0 : i32
      %dma_wait3A_111 = tpu.memref_slice %arg6[%arg0, %mul3A_99, %dma_wait3A_110] : memref<2x10000x128xf32, #tpu.memory_space<hbm>> -> memref<1x624x128xf32, #tpu.memory_space<hbm>>
      %dma_wait3A_112 = tpu.memref_squeeze %dma_wait3A_111 : memref<1x624x128xf32, #tpu.memory_space<hbm>> -> memref<624x128xf32, #tpu.memory_space<hbm>>
      %dma_wait3A_113 = arith.constant 0 : i32
      %dma_wait3A_114 = tpu.memref_slice %arg8[%mul3A_97, %dma_wait3A_113] : memref<10000x128xf32, #tpu.memory_space<vmem_shared>> -> memref<624x128xf32, #tpu.memory_space<vmem_shared>>
      tpu.wait_dma2 semaphore(%run_scoped3A : memref<!tpu.dma_semaphore, #tpu.memory_space<semaphore_mem>>) src(%dma_wait3A_114 : memref<624x128xf32, #tpu.memory_space<vmem_shared>>) dst(%dma_wait3A_112 : memref<624x128xf32, #tpu.memory_space<hbm>>)
      tpu.yield
    }) : () -> ()
    %eq3A_100 = arith.constant 15 : i32
    %eq3A_101 = arith.cmpi eq, %arg1, %eq3A_100 : i32
    %convert_element_type3A_102 = arith.extui %eq3A_101 : i1 to i32
    %cond3A_103 = arith.constant 0 : i32
    %cond3A_104 = arith.cmpi ne, %convert_element_type3A_102, %cond3A_103 : i32
    scf.if %cond3A_104 {
      "tpu.region"() ({
        %run_scoped3A = tpu.sem_alloc : memref<!tpu.dma_semaphore, #tpu.memory_space<semaphore_mem>>
        %dma_start3A_105 = arith.constant 9984 : i32
        %dma_start3A_106 = arith.constant 0 : i32
        %dma_start3A_107 = tpu.memref_slice %arg6[%arg0, %dma_start3A_105, %dma_start3A_106] : memref<2x10000x128xf32, #tpu.memory_space<hbm>> -> memref<1x16x128xf32, #tpu.memory_space<hbm>>
        %dma_start3A_108 = tpu.memref_squeeze %dma_start3A_107 : memref<1x16x128xf32, #tpu.memory_space<hbm>> -> memref<16x128xf32, #tpu.memory_space<hbm>>
        %dma_start3A_109 = arith.constant 9984 : i32
        %dma_start3A_110 = arith.constant 0 : i32
        %dma_start3A_111 = tpu.memref_slice %arg8[%dma_start3A_109, %dma_start3A_110] : memref<10000x128xf32, #tpu.memory_space<vmem_shared>> -> memref<16x128xf32, #tpu.memory_space<vmem_shared>>
        tpu.enqueue_dma source(%dma_start3A_111 : memref<16x128xf32, #tpu.memory_space<vmem_shared>>) target(%dma_start3A_108 : memref<16x128xf32, #tpu.memory_space<hbm>>) target_semaphore(%run_scoped3A : memref<!tpu.dma_semaphore, #tpu.memory_space<semaphore_mem>>)
        %dma_wait3A_112 = arith.constant 9984 : i32
        %dma_wait3A_113 = arith.constant 0 : i32
        %dma_wait3A_114 = tpu.memref_slice %arg6[%arg0, %dma_wait3A_112, %dma_wait3A_113] : memref<2x10000x128xf32, #tpu.memory_space<hbm>> -> memref<1x16x128xf32, #tpu.memory_space<hbm>>
        %dma_wait3A_115 = tpu.memref_squeeze %dma_wait3A_114 : memref<1x16x128xf32, #tpu.memory_space<hbm>> -> memref<16x128xf32, #tpu.memory_space<hbm>>
        %dma_wait3A_116 = arith.constant 9984 : i32
        %dma_wait3A_117 = arith.constant 0 : i32
        %dma_wait3A_118 = tpu.memref_slice %arg8[%dma_wait3A_116, %dma_wait3A_117] : memref<10000x128xf32, #tpu.memory_space<vmem_shared>> -> memref<16x128xf32, #tpu.memory_space<vmem_shared>>
        tpu.wait_dma2 semaphore(%run_scoped3A : memref<!tpu.dma_semaphore, #tpu.memory_space<semaphore_mem>>) src(%dma_wait3A_118 : memref<16x128xf32, #tpu.memory_space<vmem_shared>>) dst(%dma_wait3A_115 : memref<16x128xf32, #tpu.memory_space<hbm>>)
        tpu.yield
      }) : () -> ()
    } else {
    }
    "tpu.region"() ({
      %run_scoped3A = tpu.sem_alloc : memref<!tpu.dma_semaphore, #tpu.memory_space<semaphore_mem>>
      %dma_start3A_105 = arith.constant 0 : i32
      %dma_start3A_106 = arith.constant 0 : i32
      %dma_start3A_107 = tpu.memref_slice %arg7[%add3A, %dma_start3A_105, %dma_start3A_106] : memref<32x1x10000xi32, #tpu.memory_space<hbm>> -> memref<1x1x10000xi32, #tpu.memory_space<hbm>>
      %dma_start3A_108 = tpu.memref_squeeze %dma_start3A_107 : memref<1x1x10000xi32, #tpu.memory_space<hbm>> -> memref<1x10000xi32, #tpu.memory_space<hbm>>
      %dma_start3A_109 = arith.constant 0 : i32
      %dma_start3A_110 = arith.constant 0 : i32
      %dma_start3A_111 = tpu.memref_slice %arg7[%add3A, %dma_start3A_109, %dma_start3A_110] : memref<32x1x10000xi32, #tpu.memory_space<hbm>> -> memref<1x1x10000xi32, #tpu.memory_space<hbm>>
      %dma_start3A_112 = tpu.memref_squeeze %dma_start3A_111 : memref<1x1x10000xi32, #tpu.memory_space<hbm>> -> memref<1x10000xi32, #tpu.memory_space<hbm>>
      tpu.enqueue_dma source(%arg9 : memref<1x10000xi32, #tpu.memory_space<vmem>>) target(%dma_start3A_112 : memref<1x10000xi32, #tpu.memory_space<hbm>>) target_semaphore(%run_scoped3A : memref<!tpu.dma_semaphore, #tpu.memory_space<semaphore_mem>>)
      %dma_wait3A_113 = arith.constant 0 : i32
      %dma_wait3A_114 = arith.constant 0 : i32
      %dma_wait3A_115 = tpu.memref_slice %arg7[%add3A, %dma_wait3A_113, %dma_wait3A_114] : memref<32x1x10000xi32, #tpu.memory_space<hbm>> -> memref<1x1x10000xi32, #tpu.memory_space<hbm>>
      %dma_wait3A_116 = tpu.memref_squeeze %dma_wait3A_115 : memref<1x1x10000xi32, #tpu.memory_space<hbm>> -> memref<1x10000xi32, #tpu.memory_space<hbm>>
      %dma_wait3A_117 = arith.constant 0 : i32
      %dma_wait3A_118 = arith.constant 0 : i32
      %dma_wait3A_119 = tpu.memref_slice %arg7[%add3A, %dma_wait3A_117, %dma_wait3A_118] : memref<32x1x10000xi32, #tpu.memory_space<hbm>> -> memref<1x1x10000xi32, #tpu.memory_space<hbm>>
      %dma_wait3A_120 = tpu.memref_squeeze %dma_wait3A_119 : memref<1x1x10000xi32, #tpu.memory_space<hbm>> -> memref<1x10000xi32, #tpu.memory_space<hbm>>
      tpu.wait_dma2 semaphore(%run_scoped3A : memref<!tpu.dma_semaphore, #tpu.memory_space<semaphore_mem>>) src(%arg9 : memref<1x10000xi32, #tpu.memory_space<vmem>>) dst(%dma_wait3A_120 : memref<1x10000xi32, #tpu.memory_space<hbm>>)
      tpu.yield
    }) : () -> ()
    return
  }
}

module attributes {stable_mosaic.version = 14 : i64} {
  func.func @_tc_head_body(%arg0: i32, %arg1: memref<2x1000x128xf32, #tpu.memory_space<vmem>>, %arg2: memref<1000x32xi32, #tpu.memory_space<vmem>>, %arg3: memref<1000x128xf32, #tpu.memory_space<vmem>>, %arg4: memref<128x128xf32, #tpu.memory_space<vmem>>, %arg5: memref<128xf32, #tpu.memory_space<vmem>>, %arg6: memref<128x128xf32, #tpu.memory_space<vmem>>, %arg7: memref<16x128xf32, #tpu.memory_space<vmem>>, %arg8: memref<16xf32, #tpu.memory_space<vmem>>, %arg9: memref<8x16xf32, #tpu.memory_space<vmem>>, %arg10: memref<1xf32, #tpu.memory_space<vmem>>, %arg11: memref<1000x1xf32, #tpu.memory_space<vmem>>) attributes {dimension_semantics = [#tpu.dimension_semantics<arbitrary>], iteration_bounds = array<i64: 10>, scalar_prefetch = 0 : i64, scratch_operands = 0 : i64, tpu.core_type = #tpu.core_type<tc>, window_params = [{transform_indices = @transform_0, window_bounds = array<i64: 2, 1000, 128>}, {transform_indices = @transform_1, window_bounds = array<i64: 1000, 32>}, {transform_indices = @transform_2, window_bounds = array<i64: 1000, 128>}, {pipeline_mode = #tpu.pipeline_mode<synchronous>, transform_indices = @transform_3, window_bounds = array<i64: 128, 128>}, {pipeline_mode = #tpu.pipeline_mode<synchronous>, transform_indices = @transform_4, window_bounds = array<i64: 128>}, {pipeline_mode = #tpu.pipeline_mode<synchronous>, transform_indices = @transform_5, window_bounds = array<i64: 128, 128>}, {pipeline_mode = #tpu.pipeline_mode<synchronous>, transform_indices = @transform_6, window_bounds = array<i64: 16, 128>}, {pipeline_mode = #tpu.pipeline_mode<synchronous>, transform_indices = @transform_7, window_bounds = array<i64: 16>}, {pipeline_mode = #tpu.pipeline_mode<synchronous>, transform_indices = @transform_8, window_bounds = array<i64: 8, 16>}, {pipeline_mode = #tpu.pipeline_mode<synchronous>, transform_indices = @transform_9, window_bounds = array<i64: 1>}, {transform_indices = @transform_10, window_bounds = array<i64: 1000, 1>}]} {
    %get3A = arith.constant 0 : index
    %get3A_0 = arith.constant 0 : index
    %get3A_1 = arith.constant 0 : index
    %get3A_2 = vector.load %arg1[%get3A, %get3A_0, %get3A_1] : memref<2x1000x128xf32, #tpu.memory_space<vmem>>, vector<1x1000x128xf32>
    %get3A_3 = vector.shape_cast %get3A_2 : vector<1x1000x128xf32> to vector<1000x128xf32>
    %get3A_4 = arith.constant 1 : index
    %get3A_5 = arith.constant 0 : index
    %get3A_6 = arith.constant 0 : index
    %get3A_7 = vector.load %arg1[%get3A_4, %get3A_5, %get3A_6] : memref<2x1000x128xf32, #tpu.memory_space<vmem>>, vector<1x1000x128xf32>
    %get3A_8 = vector.shape_cast %get3A_7 : vector<1x1000x128xf32> to vector<1000x128xf32>
    %add3A = arith.addf %get3A_3, %get3A_8 : vector<1000x128xf32>
    %get3A_9 = arith.constant 0 : index
    %get3A_10 = arith.constant 0 : index
    %get3A_11 = vector.load %arg2[%get3A_9, %get3A_10] : memref<1000x32xi32, #tpu.memory_space<vmem>>, vector<1000x32xi32>
    %convert_element_type3A = arith.sitofp %get3A_11 : vector<1000x32xi32> to vector<1000x32xf32>
    %reduce_sum3A = arith.constant dense<0.000000e+00> : vector<1000xf32>
    %reduce_sum3A_12 = vector.multi_reduction <add>, %convert_element_type3A, %reduce_sum3A [1] : vector<1000x32xf32> to vector<1000xf32>
    %max3A = arith.constant 1.000000e+00 : f32
    %max3A_13 = vector.broadcast %max3A : f32 to vector<1000xf32>
    %max3A_14 = arith.maximumf %reduce_sum3A_12, %max3A_13 : vector<1000xf32>
    %broadcast_in_dim3A = vector.shape_cast %max3A_14 : vector<1000xf32> to vector<1000x1xf32>
    %div3A = vector.broadcast %broadcast_in_dim3A : vector<1000x1xf32> to vector<1000x128xf32>
    %div3A_15 = arith.divf %add3A, %div3A : vector<1000x128xf32>
    %get3A_16 = arith.constant 0 : index
    %get3A_17 = arith.constant 0 : index
    %get3A_18 = vector.load %arg4[%get3A_16, %get3A_17] : memref<128x128xf32, #tpu.memory_space<vmem>>, vector<128x128xf32>
    %dot_general3A = arith.constant dense<0.000000e+00> : vector<1000x128xf32>
    %dot_general3A_19 = tpu.matmul %div3A_15, %get3A_18, %dot_general3A {dimension_numbers = #tpu.dot_dimension_numbers<[1], [1], [0], [0], [0, 0, 1, 0], [], []>, transpose_lhs_hint = false} : vector<1000x128xf32>, vector<128x128xf32>, vector<1000x128xf32> -> vector<1000x128xf32>
    %get3A_20 = arith.constant 0 : index
    %get3A_21 = arith.constant 0 : index
    %get3A_22 = vector.load %arg3[%get3A_20, %get3A_21] : memref<1000x128xf32, #tpu.memory_space<vmem>>, vector<1000x128xf32>
    %get3A_23 = arith.constant 0 : index
    %get3A_24 = arith.constant 0 : index
    %get3A_25 = vector.load %arg6[%get3A_23, %get3A_24] : memref<128x128xf32, #tpu.memory_space<vmem>>, vector<128x128xf32>
    %dot_general3A_26 = arith.constant dense<0.000000e+00> : vector<1000x128xf32>
    %dot_general3A_27 = tpu.matmul %get3A_22, %get3A_25, %dot_general3A_26 {dimension_numbers = #tpu.dot_dimension_numbers<[1], [1], [0], [0], [0, 0, 1, 0], [], []>, transpose_lhs_hint = false} : vector<1000x128xf32>, vector<128x128xf32>, vector<1000x128xf32> -> vector<1000x128xf32>
    %add3A_28 = arith.addf %dot_general3A_19, %dot_general3A_27 : vector<1000x128xf32>
    %get3A_29 = arith.constant 0 : index
    %get3A_30 = vector.load %arg5[%get3A_29] : memref<128xf32, #tpu.memory_space<vmem>>, vector<128xf32>
    %broadcast_in_dim3A_31 = vector.shape_cast %get3A_30 : vector<128xf32> to vector<1x128xf32>
    %add3A_32 = vector.broadcast %broadcast_in_dim3A_31 : vector<1x128xf32> to vector<1000x128xf32>
    %add3A_33 = arith.addf %add3A_28, %add3A_32 : vector<1000x128xf32>
    %max3A_34 = arith.constant 0.000000e+00 : f32
    %max3A_35 = vector.broadcast %max3A_34 : f32 to vector<1000x128xf32>
    %max3A_36 = arith.maximumf %add3A_33, %max3A_35 : vector<1000x128xf32>
    %get3A_37 = arith.constant 0 : index
    %get3A_38 = arith.constant 0 : index
    %get3A_39 = vector.load %arg7[%get3A_37, %get3A_38] : memref<16x128xf32, #tpu.memory_space<vmem>>, vector<16x128xf32>
    %dot_general3A_40 = arith.constant dense<0.000000e+00> : vector<1000x16xf32>
    %dot_general3A_41 = tpu.matmul %max3A_36, %get3A_39, %dot_general3A_40 {dimension_numbers = #tpu.dot_dimension_numbers<[1], [1], [0], [0], [0, 0, 1, 0], [], []>, transpose_lhs_hint = false} : vector<1000x128xf32>, vector<16x128xf32>, vector<1000x16xf32> -> vector<1000x16xf32>
    %get3A_42 = arith.constant 0 : index
    %get3A_43 = vector.load %arg8[%get3A_42] : memref<16xf32, #tpu.memory_space<vmem>>, vector<16xf32>
    %broadcast_in_dim3A_44 = vector.shape_cast %get3A_43 : vector<16xf32> to vector<1x16xf32>
    %add3A_45 = vector.broadcast %broadcast_in_dim3A_44 : vector<1x16xf32> to vector<1000x16xf32>
    %add3A_46 = arith.addf %dot_general3A_41, %add3A_45 : vector<1000x16xf32>
    %mul3A = arith.constant 5.000000e-01 : f32
    %mul3A_47 = vector.broadcast %mul3A : f32 to vector<1000x16xf32>
    %mul3A_48 = arith.mulf %mul3A_47, %add3A_46 : vector<1000x16xf32>
    %mul3A_49 = arith.constant 0.707106769 : f32
    %mul3A_50 = vector.broadcast %mul3A_49 : f32 to vector<1000x16xf32>
    %mul3A_51 = arith.mulf %add3A_46, %mul3A_50 : vector<1000x16xf32>
    %erf3A = math.erf %mul3A_51 : vector<1000x16xf32>
    %add3A_52 = arith.constant 1.000000e+00 : f32
    %add3A_53 = vector.broadcast %add3A_52 : f32 to vector<1000x16xf32>
    %add3A_54 = arith.addf %add3A_53, %erf3A : vector<1000x16xf32>
    %mul3A_55 = arith.mulf %mul3A_48, %add3A_54 : vector<1000x16xf32>
    %get3A_56 = arith.constant 0 : index
    %get3A_57 = arith.constant 0 : index
    %get3A_58 = vector.load %arg9[%get3A_56, %get3A_57] : memref<8x16xf32, #tpu.memory_space<vmem>>, vector<8x16xf32>
    %dot_general3A_59 = arith.constant dense<0.000000e+00> : vector<1000x8xf32>
    %dot_general3A_60 = tpu.matmul %mul3A_55, %get3A_58, %dot_general3A_59 {dimension_numbers = #tpu.dot_dimension_numbers<[1], [1], [0], [0], [0, 0, 1, 0], [], []>, transpose_lhs_hint = false} : vector<1000x16xf32>, vector<8x16xf32>, vector<1000x8xf32> -> vector<1000x8xf32>
    %slice3A = vector.extract_strided_slice %dot_general3A_60 {offsets = [0, 0], sizes = [1000, 1], strides = [1, 1]} : vector<1000x8xf32> to vector<1000x1xf32>
    %get3A_61 = arith.constant 0 : index
    %get3A_62 = vector.load %arg10[%get3A_61] : memref<1xf32, #tpu.memory_space<vmem>>, vector<1xf32>
    %get3A_63 = vector.extract %get3A_62[0] : f32 from vector<1xf32>
    %add3A_64 = vector.broadcast %get3A_63 : f32 to vector<1000x1xf32>
    %add3A_65 = arith.addf %slice3A, %add3A_64 : vector<1000x1xf32>
    %max3A_66 = arith.constant 0.000000e+00 : f32
    %max3A_67 = vector.broadcast %max3A_66 : f32 to vector<1000x1xf32>
    %max3A_68 = arith.maximumf %add3A_65, %max3A_67 : vector<1000x1xf32>
    %swap3A = arith.constant 0 : index
    %swap3A_69 = arith.constant 0 : index
    %swap3A_70 = vector.load %arg11[%swap3A, %swap3A_69] : memref<1000x1xf32, #tpu.memory_space<vmem>>, vector<1000x1xf32>
    tpu.vector_store %arg11[%swap3A, %swap3A_69], %max3A_68 {strides = array<i32>} : memref<1000x1xf32, #tpu.memory_space<vmem>>, vector<1000x1xf32>,
    return
  }
  func.func @transform_0(%arg0: i32) -> (i32, i32, i32) {
    %c0_i32 = arith.constant 0 : i32
    %c0_i32_0 = arith.constant 0 : i32
    %c0_i32_1 = arith.constant 0 : i32
    return %c0_i32, %arg0, %c0_i32_0 : i32, i32, i32
  }
  func.func @transform_1(%arg0: i32) -> (i32, i32) {
    %c0_i32 = arith.constant 0 : i32
    %c0_i32_0 = arith.constant 0 : i32
    return %arg0, %c0_i32 : i32, i32
  }
  func.func @transform_2(%arg0: i32) -> (i32, i32) {
    %c0_i32 = arith.constant 0 : i32
    %c0_i32_0 = arith.constant 0 : i32
    return %arg0, %c0_i32 : i32, i32
  }
  func.func @transform_3(%arg0: i32) -> (i32, i32) {
    %c0_i32 = arith.constant 0 : i32
    %c0_i32_0 = arith.constant 0 : i32
    %c0_i32_1 = arith.constant 0 : i32
    return %c0_i32, %c0_i32_0 : i32, i32
  }
  func.func @transform_4(%arg0: i32) -> i32 {
    %c0_i32 = arith.constant 0 : i32
    %c0_i32_0 = arith.constant 0 : i32
    return %c0_i32 : i32
  }
  func.func @transform_5(%arg0: i32) -> (i32, i32) {
    %c0_i32 = arith.constant 0 : i32
    %c0_i32_0 = arith.constant 0 : i32
    %c0_i32_1 = arith.constant 0 : i32
    return %c0_i32, %c0_i32_0 : i32, i32
  }
  func.func @transform_6(%arg0: i32) -> (i32, i32) {
    %c0_i32 = arith.constant 0 : i32
    %c0_i32_0 = arith.constant 0 : i32
    %c0_i32_1 = arith.constant 0 : i32
    return %c0_i32, %c0_i32_0 : i32, i32
  }
  func.func @transform_7(%arg0: i32) -> i32 {
    %c0_i32 = arith.constant 0 : i32
    %c0_i32_0 = arith.constant 0 : i32
    return %c0_i32 : i32
  }
  func.func @transform_8(%arg0: i32) -> (i32, i32) {
    %c0_i32 = arith.constant 0 : i32
    %c0_i32_0 = arith.constant 0 : i32
    %c0_i32_1 = arith.constant 0 : i32
    return %c0_i32, %c0_i32_0 : i32, i32
  }
  func.func @transform_9(%arg0: i32) -> i32 {
    %c0_i32 = arith.constant 0 : i32
    %c0_i32_0 = arith.constant 0 : i32
    return %c0_i32 : i32
  }
  func.func @transform_10(%arg0: i32) -> (i32, i32) {
    %c0_i32 = arith.constant 0 : i32
    %c0_i32_0 = arith.constant 0 : i32
    return %arg0, %c0_i32 : i32, i32
  }
}

</mosaic_0001>

<sc_bundles>
// kernel: kernel.4.cloned.1.call-start
scs
__scs_entry_jumppad:
0x0: {  	(pc) =	sbr.rel $0x88, $3  }
0x1: {  	(tag) =	ssettag $0x0;
	lr =	simm.s32 $0x1  }
0x2: {  	[smem:$0x3F98] =	sst lr;
	_ =	strace $0xD0000000  }
0x3: {  	_ = 	snop  }
0x4: {  	_ = 	snop  }
0x5: {  	_ = 	snop  }
0x6: {  	_ = 	snop  }
0x7: {  	_ = 	snop  }
__scs_overlays_trampoline_lowered:
0x8: {  	[smem:$0x3FA7] =	sst s0  }
0x9: {  	[smem:$0x3FA8] =	sst s1  }
0xa: {  	[smem:$0x3FA9] =	sst s2  }
0xb: {  	[smem:$0x3FAA] =	sst s3  }
0xc: {  	[smem:$0x3FAB] =	sst s4  }
0xd: {  	[smem:$0x3FAC] =	sst s5  }
0xe: {  	[smem:$0x3FAD] =	sst s6  }
0xf: {  	[smem:$0x3FAE] =	sst s7  }
0x10: {  	[smem:$0x3FAF] =	sst s8  }
0x11: {  	[smem:$0x3FB0] =	sst s9;
	s0 =	simm.s32 @!p0 $0x0  }
0x12: {  	s1 =	sld [smem:$0x3F96];
	s0 =	simm.s32 @p0 $0x1  }
0x13: {  	[smem:$0x3FB1] =	sst s0;
	s0 =	simm.s32 @!p1 $0x0  }
0x14: {  	s2 =	sld [smem:$0x3F95];
	s0 =	simm.s32 @p1 $0x1  }
0x15: {  	[smem:$0x3FB2] =	sst s0;
	s0 =	simm.s32 @!p2 $0x0  }
0x16: {  	s3 =	sld [smem:$0x3FDB];
	s0 =	simm.s32 @p2 $0x1  }
0x17: {  	s4 =	simm.s32 $0x1BF5;
	[smem:$0x3FB4] =	sst s0  }
0x18: {  	s0 =	sld [smem:$0x3F97];
	_ =	swait.ge [sflag:s4], $0x0  }
0x19: {  	s7 =	sld [smem:$0x3F98]  }
0x1a: {  	s8 =	sadd.s32 $0xFFFFE003, lr  }
0x1b: {  	s9 =	sadd.s32 $0xFFFFFEF7, lr;
	s5 =	simm.s32 $0xFFFFFFFF;
	p2 =	slt.u32 s8, $0xFFFFF086  }
0x1c: {  	p1 =	slt.u32 s9, $0xF7A;
	s5 =	simm.s32 @!p2 $0x0  }
0x1d: {  	s5 =	simm.s32 @p1 $0x1;
	p0 =	seq.s32 s7, s2  }
0x1e: {  	s7 =	smul.u32 @!p0 $0xF7A, s2;
	p2 =	seq.s32 @!p0 s5, $0x0  }
0x1f: {  	s9 =	smul.u32 $0xF7A, s1;
	s8 =	simm.s32 @!p0 $0x1BF5;
	p2 =	por !p2, p0  }
0x20: {  	[sflag:s8] =	ssyncset.s32 @!p0 $0xFFFFF086;
	s6 =	sadd.s32 @!p0 s3, s7;
	s7 =	simm.s32 @!p0 $0x108  }
0x21: {  	s3 =	sadd.s32 s3, s9;
	s6 =	sadd.s32 @!p0 $0x88, s6;
	s7 =	simm.s32 @p2 $0x1082  }
0x22: {  	[simem:s7], [sflag:s8] =	dma.local @!p0 [hbm:s6], $0xF7A  }
0x23: {  	s9 =	sor.u32 $0xD0000000, s2;
	s6 =	simm.s32 $0x108;
	_ =	swait.ge @!p0 [sflag:s8], $0x0  }
0x24: {  	s3 =	sadd.s32 $0x88, s3;
	s6 =	simm.s32 @!p1 $0x1082;
	[sflag:s4] =	ssyncset.s32 $0xFFFFF086  }
0x25: {  	[simem:s6], [sflag:s4] =	dma.local [hbm:s3], $0xF7A  }
0x26: {  	[smem:$0x3F98] =	sst s1;
	(tag) =	ssettag s2;
	_ =	strace s9  }
0x27: {  	s1 =	sld [smem:$0x3FA8]  }
0x28: {  	s2 =	sld [smem:$0x3FA9]  }
0x29: {  	s4 =	sld [smem:$0x3FAB]  }
0x2a: {  	p0 =	seq.s32 s5, $0x0;
	s5 =	sld [smem:$0x3FAC]  }
0x2b: {  	s6 =	sld [smem:$0x3FAD]  }
0x2c: {  	s7 =	sld [smem:$0x3FAE]  }
0x2d: {  	s3 =	simm.s32 $0x108;
	s8 =	sld [smem:$0x3FAF]  }
0x2e: {  	s3 =	simm.s32 @!p0 $0x1082;
	s9 =	sld [smem:$0x3FB0]  }
0x2f: {  	lr =	sadd.s32 s0, s3;
	s0 =	sld [smem:$0x3FA7]  }
0x30: {  	s3 =	sld [smem:$0x3FAA]  }
0x31: {  	[smem:$0x3FB3] =	sst s10  }
0x32: {  	s10 =	sld [smem:$0x3FB1];
	_ =	sdelay $0x3  }
0x33: {  	p0 =	seq.s32 s10, $0x1;
	s10 =	sld [smem:$0x3FB3];
	_ =	sdelay $0x3  }
0x34: {  	[smem:$0x3FB3] =	sst s10  }
0x35: {  	s10 =	sld [smem:$0x3FB2];
	_ =	sdelay $0x3  }
0x36: {  	p1 =	seq.s32 s10, $0x1;
	s10 =	sld [smem:$0x3FB3];
	_ =	sdelay $0x3  }
0x37: {  	[smem:$0x3FB3] =	sst s10  }
0x38: {  	s10 =	sld [smem:$0x3FB4]  }
0x39: {  	_ = 	snop;
	(pc) =	sbr.ind lr, $3  }
0x3a: {  	_ = 	snop  }
0x3b: {  	_ = 	snop  }
0x3c: {  	p2 =	seq.s32 s10, $0x1;
	s10 =	sld [smem:$0x3FB3]  }
0x3d: {  	_ =	shalt  }
0x3e: {  	_ =	shalt  }
0x3f: {  	_ =	shalt  }
0x40: {  	_ =	shalt  }
0x41: {  	_ =	shalt  }
0x42: {  	_ =	shalt  }
0x43: {  	_ =	shalt  }
0x44: {  	_ =	shalt  }
0x45: {  	_ =	shalt  }
0x46: {  	_ =	shalt  }
0x47: {  	_ =	shalt  }
0x48: {  	_ =	shalt  }
0x49: {  	_ =	shalt  }
0x4a: {  	_ =	shalt  }
0x4b: {  	_ =	shalt  }
0x4c: {  	_ =	shalt  }
0x4d: {  	_ =	shalt  }
0x4e: {  	_ =	shalt  }
0x4f: {  	_ =	shalt  }
0x50: {  	_ =	shalt  }
0x51: {  	_ =	shalt  }
0x52: {  	_ =	shalt  }
0x53: {  	_ =	shalt  }
0x54: {  	_ =	shalt  }
0x55: {  	_ =	shalt  }
0x56: {  	_ =	shalt  }
0x57: {  	_ =	shalt  }
0x58: {  	_ =	shalt  }
0x59: {  	_ =	shalt  }
0x5a: {  	_ =	shalt  }
0x5b: {  	_ =	shalt  }
0x5c: {  	_ =	shalt  }
0x5d: {  	_ =	shalt  }
0x5e: {  	_ =	shalt  }
0x5f: {  	_ =	shalt  }
0x60: {  	_ =	shalt  }
0x61: {  	_ =	shalt  }
0x62: {  	_ =	shalt  }
0x63: {  	_ =	shalt  }
0x64: {  	_ =	shalt  }
0x65: {  	_ =	shalt  }
0x66: {  	_ =	shalt  }
0x67: {  	_ =	shalt  }
0x68: {  	_ =	shalt  }
0x69: {  	_ =	shalt  }
0x6a: {  	_ =	shalt  }
0x6b: {  	_ =	shalt  }
0x6c: {  	_ =	shalt  }
0x6d: {  	_ =	shalt  }
0x6e: {  	_ =	shalt  }
0x6f: {  	_ =	shalt  }
0x70: {  	_ =	shalt  }
0x71: {  	_ =	shalt  }
0x72: {  	_ =	shalt  }
0x73: {  	_ =	shalt  }
0x74: {  	_ =	shalt  }
0x75: {  	_ =	shalt  }
0x76: {  	_ =	shalt  }
0x77: {  	_ =	shalt  }
0x78: {  	_ =	shalt  }
0x79: {  	_ =	shalt  }
0x7a: {  	_ =	shalt  }
0x7b: {  	_ =	shalt  }
0x7c: {  	_ =	shalt  }
0x7d: {  	_ =	shalt  }
0x7e: {  	_ =	shalt  }
0x7f: {  	_ =	shalt  }
0x80: {  	_ =	shalt  }
0x81: {  	_ =	shalt  }
0x82: {  	_ =	shalt  }
0x83: {  	_ =	shalt  }
0x84: {  	_ =	shalt  }
0x85: {  	_ =	shalt  }
0x86: {  	_ =	shalt  }
0x87: {  	_ =	shalt  }
.Lfunc_end0:
.L_simem_size_0:
called_computation_lowered:
.L_overlay_start_0:
0x88: {  	s2 =	sld [smem:$0x3FD9]  }
0x89: {  	s3 =	sld [smem:$0x3FFE];
	_ =	sdelay $0x1  }
0x8a: {  	s1 =	srdreg.scid  }
0x8b: {  	s0 =	sand.u32 $0x1, s1  }
0x8c: {  	s17 =	sshll.u32 s0, $0xA;
	s2 =	sadd.s32 s3, s2  }
0x8d: {  	s2 =	sadd.s32 s2, s17  }
0x8e: {  	[smem:$0x3FBF] =	sst s2  }
0x8f: {  	_ = 	snop  }
0x90: {  	s2 =	sld [smem:$0x3FC9];
	(tm) =	ssettm $0x1  }
0x91: {  	s18 =	sld [smem:$0x3FFB];
	_ =	sdelay $0x3  }
0x92: {  	_ =	strace s18  }
0x93: {  	s3 =	sld [smem:$0x3FFC];
	_ =	sdelay $0x3  }
0x94: {  	_ =	strace s3  }
0x95: {  	s3 =	sld [smem:$0x3FFD];
	_ =	sdelay $0x3  }
0x96: {  	_ =	strace s3  }
0x97: {  	_ =	strace $0x8FFFFFFF  }
0x98: {  	s19 =	sld [smem:$0x3FDB];
	_ =	sdelay $0x1  }
0x99: {  	s4 =	simm.s32 $_scs_section_size  }
0x9a: {  	s5 =	simm.s32 $_size__tile_overlayer_lowered;
	s6 =	simm.s32 $_tile_overlayer_lowered  }
0x9b: {  	s22 =	simm.s32 $0x1BFF;
	s21 =	sshll.u32 s6, $0x1;
	s3 =	sadd.s32 s4, s19  }
0x9c: {  	s7 =	simm.s32 $0x0;
	s20 =	sshll.u32 s5, $0x1;
	s5 =	sadd.s32 s21, s3  }
0x9d: {  	[timem:s7], [sflag:s22] =	dma.local [hbm:s5], s20  }
0x9e: {  	_ =	swait.ge [sflag:s22], s20  }
0x9f: {  	s4 =	ssub.s32 $0x0, s20;
	[sflag:s22] =	ssyncset.done $0x0  }
0xa0: {  	[sflag:s22] =	ssyncadd.s32 s4;
	_ =	sdelay $0x1  }
0xa1: {  	s23 =	simm.s32 $0x1B8B  }
0xa2: {  	_ =	swait.ge [sflag:s23], $0x1  }
0xa3: {  	[sflag:s23] =	ssyncset.done $0x0  }
0xa4: {  	s25 =	simm.s32 $0x1B8E;
	s24 =	sld [smem:$0x3FFE];
	[sflag:s23] =	ssyncadd.s32 $0xFFFFFFFF  }
0xa5: {  	s26 =	simm.s32 $execute0_lowered;
	[smem:$0x3FD2] =	sst s25  }
0xa6: {  	s5 =	sshll.u32 s26, $0x1;
	_ =	strace $0x80000046;
	[dreg:$0x1] =	wrdreg $0xFFFFFFFF  }
0xa7: {  	s28 =	simm.s32 $_size_execute0_lowered;
	s3 =	sadd.s32 s3, s5;
	[dreg:$0x0] =	wrdreg $0x0  }
0xa8: {  	s5 =	sshll.u32 s28, $0x1;
	[dreg:$0x2] =	wrdreg s3  }
0xa9: {  	[dreg:$0x3] =	wrdreg s5  }
0xaa: {  	[dreg:$0x4] =	wrdreg $0xC0  }
0xab: {  	_ =	task [dreg:s7], $0x5FFFF  }
0xac: {  	[dreg:$0x1] =	wrdreg $0xFFFFFFFF  }
0xad: {  	[dreg:$0x0] =	wrdreg $0x60  }
0xae: {  	[dreg:$0x2] =	wrdreg s24  }
0xaf: {  	[dreg:$0x3] =	wrdreg s2  }
0xb0: {  	[dreg:$0x4] =	wrdreg $0x0  }
0xb1: {  	[dreg:$0x5] =	wrdreg $0x9  }
0xb2: {  	_ =	task.clear_ibuf [dreg:s7], $0x6FFFF;
	_ =	strace $0x90000046  }
0xb3: {  	s29 =	simm.s32 $0x9;
	_ =	strace $0x80000048  }
0xb4: {  	_ =	swait.ge [sflag:s29], $0x1  }
0xb5: {  	[sflag:s29] =	ssyncadd.s32 $0xFFFFFFFF  }
0xb6: {  	_ =	strace $0x90000048  }
0xb7: {  	_ =	sfence  }
0xb8: {  	s30 =	sld [smem:$0x0];
	_ =	sdelay $0x2  }
0xb9: {  	s31 =	sshll.u32 s1, $0xD;
	s1 =	sshrl.u32 s1, $0x2  }
0xba: {  	s3 =	sand.u32 $0x4000, s31;
	s1 =	sadd.s32 s1, s30  }
0xbb: {  	s0 =	sor.u32 s3, s0;
	s1 =	sshll.u32 s1, $0x11  }
0xbc: {  	s0 =	sor.u32 s1, s0  }
0xbd: {  	s0 =	sadd.s32 $0x8F2B, s0  }
0xbe: {  	[sflag:s0] =	ssyncadd.remote.s32 $0x1  }
0xbf: {  	_ =	sfence.sel $0xFFFF  }
0xc0: {  	[dreg:$0x0] =	wrdreg $0xFFFFFFFF;
	(pc) =	sbr.abs _section_cstart, $3  }
0xc1: {  	[dreg:$0x1] =	wrdreg $0xFFFFFFFF  }
0xc2: {  	_ =	task.clear_ibuf [dreg:s7], $0x2FFFF;
	_ =	strace $0x9FFFFFFF  }
0xc3: {  	(tm) =	ssettm $0x7FFFFFFF  }
tec
execute0_lowered:
.L_overlay_start_1:
0x0: {  	(tag) =	ssettag $0x1  }
0x1: {  	s0 =	rddreg [dreg:$0x0]  }
0x2: {  	s1 =	rddreg [dreg:$0x1]  }
0x3: {  	s2 =	rddreg [dreg:$0x2];
	s3 =	srdreg.scid;
	s4 =	simm.s32 $0x0  }
0x4: {  	s15 =	stileid.u32;
	s29 =	simm.s32 $0x16100;
	s30 =	simm.s32 $0x16400  }
0x5: {  	s31 =	simm.s32 $0x1;
	s28 =	simm.s32 $0xA;
	s3 =	sand.u32 $0x1, s3  }
0x6: {  	[smem:$0x7FF] =	sst s4;
	s7 =	smul.u32 $0x13800, s15;
	s6 =	sadd.s32 $0x10E00, s0  }
0x7: {  	s12 =	smul.u32 $0x4E000, s15;
	s13 =	sadd.s32 $0x51E00, s0;
	s26 =	sshll.u32 s15, $0x6  }
0x8: {  	p0 =	sne.s32 s15, $0xF;
	s5 =	sshll.u32 s3, $0x4;
	_ =	strace $0x80000047  }
0x9: {  	s11 =	ssub.s32 $0x2, s3;
	s3 =	smul.u32 $0x138800, s3;
	s8 =	sor.u32 s15, s5  }
0xa: {  	s5 =	sadd.s32 $0xE00, s0;
	s10 =	sshrl.u32 s7, $0x3;
	s14 =	sshrl.u32 s11, $0x1  }
0xb: {  	s12 =	sshrl.u32 s12, $0x2;
	s15 =	simm.s32 $0x16480;
	s9 =	smul.u32 $0x4F0, s8  }
0xc: {  	s10 =	sadd.s32 s10, s0;
	s11 =	ssub.s32 s11, s14;
	s12 =	sadd.s32 s12, s2  }
0xd: {  	s14 =	sor.u32 $0x1C0D, s26;
	s16 =	sshll.u32 s8, $0xB;
	s7 =	sadd.s32 s7, s3  }
0xe: {  	s3 =	sshrl.u32 s3, $0x3;
	[dreg:$0x4] =	wrdreg s12;
	s10 =	sadd.s32 $0x20E00, s10  }
0xf: {  	s12 =	sadd.s32 $0x138000, s2;
	s17 =	sadd.s32 s5, s16;
	s18 =	sadd.s32 s6, s16  }
0x10: {  	s19 =	sor.u32 $0x10, s16;
	s21 =	sor.u32 $0x20, s16;
	[dreg:$0x6] =	wrdreg s14  }
0x11: {  	s23 =	sshrl.u32 s7, $0x3;
	s3 =	sadd.s32 s13, s3;
	[dreg:$0x5] =	wrdreg s10  }
0x12: {  	s26 =	smax.u32 s11, $0x1;
	s7 =	simm.s32 $0x2;
	[dreg:$0x7] =	wrdreg s12  }
0x13: {  	s11 =	simm.s32 $0x13880;
	s16 =	simm.s32 $0x3;
	[dreg:$0x9] =	wrdreg s17  }
0x14: {  	s9 =	sadd.s32 s9, s0;
	s0 =	sadd.s32 $0x47E00, s0;
	[dreg:$0xa] =	wrdreg s18  }
0x15: {  	s12 =	sshll.u32 s8, $0xE;
	s20 =	sadd.s32 s5, s19;
	[dreg:$0x12] =	wrdreg s26  }
0x16: {  	s22 =	sadd.s32 s5, s21;
	s24 =	sadd.s32 $0x27000, s3;
	[dreg:$0x8] =	wrdreg s0  }
0x17: {  	s3 =	simm.s32 $0x16600;
	s8 =	simm.s32 $0x18E00;
	[dreg:$0xb] =	wrdreg s20  }
0x18: {  	s10 =	simm.s32 $0xB;
	s17 =	simm.s32 $0x1B600;
	[dreg:$0xd] =	wrdreg s22  }
0x19: {  	s18 =	simm.s32 $0x9;
	s0 =	sadd.s32 s6, s19;
	[dreg:$0x10] =	wrdreg s24  }
.Ltmp0:
0x1a: {  	s25 =	sadd.s32 $0x48000, s9;
	s20 =	simm.s32 $0xD;
	(pc) =	sbr.rel .LBB2_1-.Ltmp0, $4  }
0x1b: {  	s19 =	simm.s32 $0x5;
	s22 =	simm.s32 $0x8;
	[dreg:$0xc] =	wrdreg s0  }
0x1c: {  	s0 =	sadd.s32 s6, s21;
	[dreg:$0x11] =	wrdreg s25;
	s21 =	simm.s32 $0xC  }
0x1d: {  	[dreg:$0xe] =	wrdreg s0;
	s0 =	sadd.s32 s13, s23;
	s13 =	simm.s32 $0x7  }
0x1e: {  	v0 =	vimm.s32 $0x0;
	s23 =	simm.s32 $0x0;
	[dreg:$0xf] =	wrdreg s0;
	s0 =	simm.s32 $0x50  }
.LBB2_8:
0x1f: {  	_ =	swait.ge [sflag:s10], $0x2800  }
0x20: {  	[sflag:s10] =	ssyncset.done $0x0  }
0x21: {  	[sflag:s10] =	ssyncadd.s32 $0xFFFFD800  }
0x22: {  	[bflag:$0x0] =	sbarrier.arrive $0xFFFF  }
0x23: {  	s14 =	rddreg [dreg:$0x6]  }
0x24: {  	s9 =	rddreg [dreg:$0xf]  }
0x25: {  	s20 =	rddreg [dreg:$0x14]  }
0x26: {  	[hbm:s9], [sflag:s14] =	dma.local [spmem:s20], $0x2700  }
0x27: {  	s20 =	simm.s32 $0xD  }
0x28: {  	_ =	swait.ge [sflag:s20], $0x2700  }
0x29: {  	[sflag:s20] =	ssyncset.done $0x0;
	s9 =	rddreg [dreg:$0x10]  }
0x2a: {  	s23 =	rddreg [dreg:$0x15];
	[sflag:s20] =	ssyncadd.s32 $0xFFFFD900  }
0x2b: {  	[hbm:s9], [sflag:s14] =	dma.local @!p0 [spmem:s23], $0x100  }
0x2c: {  	s9 =	simm.s32 @!p0 $0xD  }
0x2d: {  	_ =	swait.ge @!p0 [sflag:s9], $0x100  }
0x2e: {  	[sflag:s9] =	ssyncset.done @!p0 $0x0  }
0x2f: {  	s24 =	rddreg [dreg:$0x11];
	[sflag:s9] =	ssyncadd.s32 @!p0 $0xFFFFFF00  }
0x30: {  	[hbm4b:s24+s4] =	stream.linear.scatter [tilespmem:s11], [sflag:$0xD], $0x2780, $0x38;
	[tilespmem:$0x1DE00] =	vst v63  }
0x31: {  	_ =	swait.ge [sflag:s20], $0x2780  }
0x32: {  	s25 =	rddreg [dreg:$0x13]  }
0x33: {  	s26 =	rddreg [dreg:$0x12];
	s23 =	sadd.s32 $0x1, s25  }
0x34: {  	p1 =	sne.s32 s23, s26  }
.Ltmp1:
0x35: {  	_ = 	snop;
	(pc) =	sbr.rel @!p1 .LBB2_9-.Ltmp1, $3  }
0x36: {  	_ =	sdelay $0x1  }
0x37: {  	[sflag:s20] =	ssyncset.done $0x0  }
0x38: {  	[sflag:s20] =	ssyncadd.s32 $0xFFFFD880  }
.LBB2_1:
0x39: {  	[dreg:$0x13] =	wrdreg s23  }
0x3a: {  	s9 =	rddreg [dreg:$0x4]  }
0x3b: {  	s26 =	rddreg [dreg:$0x5];
	s25 =	sshrl.u32 s9, $0x3  }
0x3c: {  	[dreg:$0x14] =	wrdreg s25  }
0x3d: {  	[spmem:s25], [sflag:s14] =	dma.local [hbm:s26], $0x2700  }
0x3e: {  	_ =	swait.ge [sflag:s20], $0x2700  }
0x3f: {  	[sflag:s20] =	ssyncset.done $0x0;
	s9 =	rddreg [dreg:$0x7]  }
0x40: {  	[sflag:s20] =	ssyncadd.s32 $0xFFFFD900;
	s20 =	sshrl.u32 @!p0 s9, $0x3;
	s9 =	rddreg [dreg:$0x8]  }
0x41: {  	s23 =	simm.s32 @!p0 $0xD;
	[dreg:$0x15] =	wrdreg s20  }
0x42: {  	[spmem:s20], [sflag:s14] =	dma.local @!p0 [hbm:s9], $0x100  }
0x43: {  	_ =	swait.ge @!p0 [sflag:s23], $0x100  }
0x44: {  	[sflag:s23] =	ssyncset.done @!p0 $0x0  }
0x45: {  	s24 =	simm.s32 $0x0;
	[sflag:s23] =	ssyncadd.s32 @!p0 $0xFFFFFF00;
	s23 =	simm.s32 $0x40  }
.LBB2_2:
0x46: {  	p1 =	sne.s32 s23, $0x9C00;
	[tilespmem:s24+$0x13880] =	vst v0;
	s24 =	smov.u32 s23;
	s23 =	sadd.s32 $0x40, s23  }
.Ltmp2:
0x47: {  	(pc) =	sbr.rel @p1 .LBB2_2-.Ltmp2, $2  }
0x48: {  	_ =	sdelay $0x2  }
0x49: {  	s24 =	sshra.s32 s24, $0x2  }
0x4a: {  	[tilespmem:s24+$0x13880] =	vst v0  }
0x4b: {  	[bflag:$0x0] =	sbarrier.arrive $0xFFFF  }
0x4c: {  	s24 =	simm.s32 $0x0;
	s14 =	simm.s32 $0x16000;
	s9 =	rddreg [dreg:$0x9]  }
0x4d: {  	[tilespmem:s14], [sflag:$0x1] =	stream.linear.gather [hbm4b:s9+s24], $0x80, $0x38;
	[tilespmem:$0x1DE00] =	vst v63  }
0x4e: {  	s20 =	simm.s32 $0x16300;
	s23 =	rddreg [dreg:$0xa]  }
0x4f: {  	[tilespmem:s20], [sflag:$0x1] =	stream.linear.gather [hbm4b:s23+s24], $0x80, $0x38;
	[tilespmem:$0x1DE00] =	vst v63  }
0x50: {  	s25 =	rddreg [dreg:$0xb];
	s20 =	simm.s32 $0x16080  }
0x51: {  	[tilespmem:s20], [sflag:$0x2] =	stream.linear.gather [hbm4b:s25+s24], $0x80, $0x38;
	[tilespmem:$0x1DE00] =	vst v63  }
0x52: {  	s26 =	rddreg [dreg:$0xc];
	s23 =	simm.s32 $0x16380  }
0x53: {  	[tilespmem:s23], [sflag:$0x2] =	stream.linear.gather [hbm4b:s26+s24], $0x80, $0x38;
	[tilespmem:$0x1DE00] =	vst v63  }
0x54: {  	s25 =	rddreg [dreg:$0xd]  }
0x55: {  	[tilespmem:s29], [sflag:$0x3] =	stream.linear.gather [hbm4b:s25+s24], $0x80, $0x38;
	[tilespmem:$0x1DE00] =	vst v63  }
0x56: {  	s26 =	rddreg [dreg:$0xe]  }
0x57: {  	[tilespmem:s30], [sflag:$0x3] =	stream.linear.gather [hbm4b:s26+s24], $0x80, $0x38;
	[tilespmem:$0x1DE00] =	vst v63  }
0x58: {  	_ =	swait.ge [sflag:s31], $0x80  }
0x59: {  	[sflag:s31] =	ssyncset.done $0x0  }
0x5a: {  	[sflag:s31] =	ssyncadd.s32 $0xFFFFFF80  }
0x5b: {  	_ =	swait.ge [sflag:s31], $0x80  }
0x5c: {  	[sflag:s31] =	ssyncset.done $0x0  }
0x5d: {  	[sflag:s31] =	ssyncadd.s32 $0xFFFFFF80  }
0x5e: {  	[tilespmem:s3], [sflag:$0x7] =	stream.indirect.gather [hbm4b:s1+s0], $0x80, s14, s0, $0xb8;
	[tilespmem:$0x1DE00] =	vst v63  }
0x5f: {  	_ =	swait.ge [sflag:s7], $0x80  }
0x60: {  	[sflag:s7] =	ssyncset.done $0x0  }
.Ltmp3:
0x61: {  	[sflag:s7] =	ssyncadd.s32 $0xFFFFFF80;
	(pc) =	sbr.rel .LBB2_4-.Ltmp3, $4  }
0x62: {  	_ =	swait.ge [sflag:s7], $0x80  }
0x63: {  	[sflag:s7] =	ssyncset.done $0x0  }
0x64: {  	s23 =	simm.s32 $0x400;
	[sflag:s7] =	ssyncadd.s32 $0xFFFFFF80  }
0x65: {  	[tilespmem:s8], [sflag:$0x8] =	stream.indirect.gather [hbm4b:s1+s0], $0x80, s20, s0, $0xb8;
	[tilespmem:$0x1DE00] =	vst v63  }
.LBB2_7:
0x66: {  	s23 =	sadd.s32 $0x300, s23  }
0x67: {  	p1 =	sne.s32 s23, $0x4600  }
.Ltmp4:
0x68: {  	_ = 	snop;
	(pc) =	sbr.rel @!p1 .LBB2_8-.Ltmp4, $2  }
0x69: {  	_ =	sdelay $0x2  }
0x6a: {  	s24 =	sadd.s32 $0x1, s24  }
.LBB2_4:
0x6b: {  	p1 =	seq.s32 s23, $0x4300  }
.Ltmp5:
0x6c: {  	_ = 	snop;
	(pc) =	sbr.rel @p1 .LBB2_8-.Ltmp5, $1  }
0x6d: {  	_ =	sdelay $0x3  }
0x6e: {  	_ =	swait.ge [sflag:s13], $0x2800  }
0x6f: {  	[sflag:s13] =	ssyncset.done $0x0  }
0x70: {  	s9 =	simm.s32 $0x16300;
	[sflag:s13] =	ssyncadd.s32 $0xFFFFD800  }
0x71: {  	[spmem:s2] =	stream.indirect.scatter.add.f32 [tilespmem:s3], [sflag:$0xA], $0x80, s9, s0, $0xb8;
	[tilespmem:$0x1DE00] =	vst v63  }
0x72: {  	v1 =	vld [tilespmem:$0x16300];
	_ =	sdelay $0x4  }
0x73: {  	(xrf1) =	vunique.msk.u32 $0xffff, v1;
	_ =	sdelay $0xd  }
0x74: {  	_, v2, vm0 =	vpop (xrf1);
	_ =	sdelay $0x5  }
0x75: {  	[tilespmem:v1+s11+$0x0] =	vst.idx.add.s32.msk vm0, v2  }
0x76: {  	v1 =	vld [tilespmem:$0x16310];
	_ =	sdelay $0x4  }
0x77: {  	(xrf1) =	vunique.msk.u32 $0xffff, v1;
	_ =	sdelay $0xd  }
0x78: {  	_, v2, vm0 =	vpop (xrf1);
	_ =	sdelay $0x5  }
0x79: {  	[tilespmem:v1+s11+$0x0] =	vst.idx.add.s32.msk vm0, v2  }
0x7a: {  	v1 =	vld [tilespmem:$0x16320];
	_ =	sdelay $0x4  }
0x7b: {  	(xrf1) =	vunique.msk.u32 $0xffff, v1;
	_ =	sdelay $0xd  }
0x7c: {  	_, v2, vm0 =	vpop (xrf1);
	_ =	sdelay $0x5  }
0x7d: {  	[tilespmem:v1+s11+$0x0] =	vst.idx.add.s32.msk vm0, v2  }
0x7e: {  	v1 =	vld [tilespmem:$0x16330];
	_ =	sdelay $0x4  }
0x7f: {  	(xrf1) =	vunique.msk.u32 $0xffff, v1;
	_ =	sdelay $0xd  }
0x80: {  	_, v2, vm0 =	vpop (xrf1);
	_ =	sdelay $0x5  }
0x81: {  	[tilespmem:v1+s11+$0x0] =	vst.idx.add.s32.msk vm0, v2  }
0x82: {  	v1 =	vld [tilespmem:$0x16340];
	_ =	sdelay $0x4  }
0x83: {  	(xrf1) =	vunique.msk.u32 $0xffff, v1;
	_ =	sdelay $0xd  }
0x84: {  	_, v2, vm0 =	vpop (xrf1);
	_ =	sdelay $0x3  }
0x85: {  	s14 =	sadd.s32 $0xFFFFFD80, s23  }
0x86: {  	p1 =	seq.s32 s23, $0x400;
	s20 =	sand.u32 $0xFC00, s14  }
0x87: {  	s14 =	sand.u32 $0x380, s14;
	s20 =	sadd.s32 s12, s20;
	s9 =	simm.s32 @!p1 $0xC;
	[tilespmem:v1+s11+$0x0] =	vst.idx.add.s32.msk vm0, v2  }
0x88: {  	s14 =	sor.u32 s14, s20;
	_ =	swait.ge @!p1 [sflag:s9], $0x2800  }
0x89: {  	s14 =	sshrl.u32 s14, $0x3;
	[sflag:s9] =	ssyncset.done @!p1 $0x0  }
0x8a: {  	s25 =	simm.s32 $0x16180;
	s20 =	sadd.s32 s5, s14;
	[sflag:s9] =	ssyncadd.s32 @!p1 $0xFFFFD800  }
0x8b: {  	[tilespmem:s25], [sflag:$0x4] =	stream.linear.gather [hbm4b:s20+s4], $0x80, $0x38;
	[tilespmem:$0x1DE00] =	vst v63  }
0x8c: {  	s26 =	sadd.s32 s6, s14  }
0x8d: {  	[tilespmem:s15], [sflag:$0x4] =	stream.linear.gather [hbm4b:s26+s4], $0x80, $0x38;
	[tilespmem:$0x1DE00] =	vst v63  }
0x8e: {  	_ =	swait.ge [sflag:s16], $0x80  }
0x8f: {  	[sflag:s16] =	ssyncset.done $0x0  }
0x90: {  	[sflag:s16] =	ssyncadd.s32 $0xFFFFFF80  }
0x91: {  	_ =	swait.ge [sflag:s16], $0x80  }
0x92: {  	p1 =	sgt.u32 s24, $0x14;
	[sflag:s16] =	ssyncset.done $0x0  }
0x93: {  	s9 =	simm.s32 @!p1 $0x8;
	[sflag:s16] =	ssyncadd.s32 $0xFFFFFF80  }
0x94: {  	[tilespmem:s17], [sflag:$0x9] =	stream.indirect.gather [hbm4b:s1+s0], $0x80, s29, s0, $0xb8;
	[tilespmem:$0x1DE00] =	vst v63  }
0x95: {  	_ =	swait.ge @!p1 [sflag:s9], $0x2800  }
0x96: {  	s14 =	simm.s32 @!p1 $0x16380;
	[sflag:s9] =	ssyncset.done @!p1 $0x0  }
0x97: {  	s20 =	simm.s32 @!p1 $0x18E00;
	[sflag:s9] =	ssyncadd.s32 @!p1 $0xFFFFD800;
	s9 =	simm.s32 @!p1 $0x50  }
0x98: {  	[spmem:s2] =	stream.indirect.scatter.add.f32 @!p1 [tilespmem:s20], [sflag:$0xB], $0x80, s14, s9, $0xb8;
	[tilespmem:$0x1DE00] =	vst v63  }
0x99: {  	v1 =	vld @!p1 [tilespmem:$0x16380];
	_ =	sdelay $0x4  }
0x9a: {  	(xrf1) =	vunique.msk.u32 @!p1 $0xffff, v1;
	_ =	sdelay $0xd  }
0x9b: {  	_, v2, vm0 =	vpop @!p1 (xrf1);
	_ =	sdelay $0x4  }
0x9c: {  	s14 =	simm.s32 @!p1 $0x13880  }
0x9d: {  	[tilespmem:v1+s14+$0x0] =	vst.idx.add.s32.msk @!p1 vm0, v2  }
0x9e: {  	v1 =	vld @!p1 [tilespmem:$0x16390];
	_ =	sdelay $0x4  }
0x9f: {  	(xrf1) =	vunique.msk.u32 @!p1 $0xffff, v1;
	_ =	sdelay $0xd  }
0xa0: {  	_, v2, vm0 =	vpop @!p1 (xrf1);
	_ =	sdelay $0x5  }
0xa1: {  	[tilespmem:v1+s14+$0x0] =	vst.idx.add.s32.msk @!p1 vm0, v2  }
0xa2: {  	v1 =	vld @!p1 [tilespmem:$0x163A0];
	_ =	sdelay $0x4  }
0xa3: {  	(xrf1) =	vunique.msk.u32 @!p1 $0xffff, v1;
	_ =	sdelay $0xd  }
0xa4: {  	_, v2, vm0 =	vpop @!p1 (xrf1);
	_ =	sdelay $0x5  }
0xa5: {  	[tilespmem:v1+s14+$0x0] =	vst.idx.add.s32.msk @!p1 vm0, v2  }
0xa6: {  	v1 =	vld @!p1 [tilespmem:$0x163B0];
	_ =	sdelay $0x4  }
0xa7: {  	(xrf1) =	vunique.msk.u32 @!p1 $0xffff, v1;
	_ =	sdelay $0xd  }
0xa8: {  	_, v2, vm0 =	vpop @!p1 (xrf1);
	_ =	sdelay $0x5  }
0xa9: {  	[tilespmem:v1+s14+$0x0] =	vst.idx.add.s32.msk @!p1 vm0, v2  }
0xaa: {  	v1 =	vld @!p1 [tilespmem:$0x163C0];
	_ =	sdelay $0x4  }
0xab: {  	(xrf1) =	vunique.msk.u32 @!p1 $0xffff, v1;
	_ =	sdelay $0xd  }
0xac: {  	_, v2, vm0 =	vpop @!p1 (xrf1);
	_ =	sdelay $0x4  }
0xad: {  	s20 =	sadd.s32 @!p1 $0xFFFFFE00, s23  }
0xae: {  	s25 =	sand.u32 @!p1 $0x7C00, s20;
	[tilespmem:v1+s14+$0x0] =	vst.idx.add.s32.msk @!p1 vm0, v2;
	s14 =	simm.s32 @!p1 $0xA  }
0xaf: {  	s20 =	sand.u32 @!p1 $0x300, s20;
	s25 =	sadd.s32 @!p1 s12, s25;
	_ =	swait.ge @!p1 [sflag:s14], $0x2800  }
0xb0: {  	s20 =	sor.u32 @!p1 s20, s25;
	[sflag:s14] =	ssyncset.done @!p1 $0x0  }
0xb1: {  	[sflag:s14] =	ssyncadd.s32 @!p1 $0xFFFFD800;
	s14 =	sshrl.u32 @!p1 s20, $0x3  }
0xb2: {  	s26 =	simm.s32 @!p1 $0x16200;
	s25 =	simm.s32 @!p1 $0x0;
	s20 =	sadd.s32 @!p1 s5, s14  }
0xb3: {  	[tilespmem:s26], [sflag:$0x5] =	stream.linear.gather @!p1 [hbm4b:s20+s25], $0x80, $0x38;
	[tilespmem:$0x1DE00] =	vst v63  }
0xb4: {  	s14 =	sadd.s32 @!p1 s6, s14;
	s20 =	simm.s32 @!p1 $0x16500  }
0xb5: {  	[tilespmem:s20], [sflag:$0x5] =	stream.linear.gather @!p1 [hbm4b:s14+s25], $0x80, $0x38;
	[tilespmem:$0x1DE00] =	vst v63  }
0xb6: {  	s14 =	simm.s32 @!p1 $0x4  }
0xb7: {  	_ =	swait.ge @!p1 [sflag:s14], $0x80  }
0xb8: {  	[sflag:s14] =	ssyncset.done @!p1 $0x0  }
0xb9: {  	[sflag:s14] =	ssyncadd.s32 @!p1 $0xFFFFFF80  }
0xba: {  	_ =	swait.ge @!p1 [sflag:s14], $0x80  }
0xbb: {  	[sflag:s14] =	ssyncset.done @!p1 $0x0  }
0xbc: {  	s20 =	simm.s32 @!p1 $0x16600;
	[sflag:s14] =	ssyncadd.s32 @!p1 $0xFFFFFF80;
	s14 =	simm.s32 @!p1 $0x16180  }
0xbd: {  	[tilespmem:s20], [sflag:$0x7] =	stream.indirect.gather @!p1 [hbm4b:s1+s9], $0x80, s14, s9, $0xb8;
	[tilespmem:$0x1DE00] =	vst v63  }
0xbe: {  	_ =	swait.ge [sflag:s18], $0x2800  }
0xbf: {  	[sflag:s18] =	ssyncset.done $0x0  }
0xc0: {  	[sflag:s18] =	ssyncadd.s32 $0xFFFFD800  }
0xc1: {  	[spmem:s2] =	stream.indirect.scatter.add.f32 [tilespmem:s17], [sflag:$0xC], $0x80, s30, s0, $0xb8;
	[tilespmem:$0x1DE00] =	vst v63  }
0xc2: {  	v1 =	vld [tilespmem:$0x16400];
	_ =	sdelay $0x4  }
0xc3: {  	(xrf1) =	vunique.msk.u32 $0xffff, v1;
	_ =	sdelay $0xd  }
0xc4: {  	_, v2, vm0 =	vpop (xrf1);
	_ =	sdelay $0x5  }
0xc5: {  	[tilespmem:v1+s11+$0x0] =	vst.idx.add.s32.msk vm0, v2  }
0xc6: {  	v1 =	vld [tilespmem:$0x16410];
	_ =	sdelay $0x4  }
0xc7: {  	(xrf1) =	vunique.msk.u32 $0xffff, v1;
	_ =	sdelay $0xd  }
0xc8: {  	_, v2, vm0 =	vpop (xrf1);
	_ =	sdelay $0x5  }
0xc9: {  	[tilespmem:v1+s11+$0x0] =	vst.idx.add.s32.msk vm0, v2  }
0xca: {  	v1 =	vld [tilespmem:$0x16420];
	_ =	sdelay $0x4  }
0xcb: {  	(xrf1) =	vunique.msk.u32 $0xffff, v1;
	_ =	sdelay $0xd  }
0xcc: {  	_, v2, vm0 =	vpop (xrf1);
	_ =	sdelay $0x5  }
0xcd: {  	[tilespmem:v1+s11+$0x0] =	vst.idx.add.s32.msk vm0, v2  }
0xce: {  	v1 =	vld [tilespmem:$0x16430];
	_ =	sdelay $0x4  }
0xcf: {  	(xrf1) =	vunique.msk.u32 $0xffff, v1;
	_ =	sdelay $0xd  }
0xd0: {  	_, v2, vm0 =	vpop (xrf1);
	_ =	sdelay $0x5  }
0xd1: {  	[tilespmem:v1+s11+$0x0] =	vst.idx.add.s32.msk vm0, v2  }
0xd2: {  	v1 =	vld [tilespmem:$0x16440];
	_ =	sdelay $0x4  }
0xd3: {  	(xrf1) =	vunique.msk.u32 $0xffff, v1;
	_ =	sdelay $0xd  }
0xd4: {  	_, v2, vm0 =	vpop (xrf1);
	_ =	sdelay $0x2  }
0xd5: {  	p1 =	sgt.u32 s24, $0x13  }
0xd6: {  	s9 =	sadd.s32 @!p1 $0xFFFFFE80, s23  }
0xd7: {  	s14 =	sand.u32 @!p1 $0xFC00, s9  }
0xd8: {  	s9 =	sand.u32 @!p1 $0x380, s9;
	s14 =	sadd.s32 @!p1 s12, s14;
	[tilespmem:v1+s11+$0x0] =	vst.idx.add.s32.msk vm0, v2  }
0xd9: {  	s9 =	sor.u32 @!p1 s9, s14;
	_ =	swait.ge [sflag:s10], $0x2800  }
0xda: {  	s20 =	simm.s32 @!p1 $0x0;
	s9 =	sshrl.u32 @!p1 s9, $0x3;
	[sflag:s10] =	ssyncset.done $0x0  }
0xdb: {  	s25 =	simm.s32 @!p1 $0x16280;
	s14 =	sadd.s32 @!p1 s5, s9;
	[sflag:s10] =	ssyncadd.s32 $0xFFFFD800  }
0xdc: {  	[tilespmem:s25], [sflag:$0x6] =	stream.linear.gather @!p1 [hbm4b:s14+s20], $0x80, $0x38;
	[tilespmem:$0x1DE00] =	vst v63  }
0xdd: {  	s9 =	sadd.s32 @!p1 s6, s9;
	s14 =	simm.s32 @!p1 $0x16580  }
0xde: {  	[tilespmem:s14], [sflag:$0x6] =	stream.linear.gather @!p1 [hbm4b:s9+s20], $0x80, $0x38;
	[tilespmem:$0x1DE00] =	vst v63  }
0xdf: {  	_ =	swait.ge [sflag:s19], $0x80  }
0xe0: {  	[sflag:s19] =	ssyncset.done $0x0  }
0xe1: {  	[sflag:s19] =	ssyncadd.s32 $0xFFFFFF80  }
0xe2: {  	_ =	swait.ge [sflag:s19], $0x80  }
0xe3: {  	[sflag:s19] =	ssyncset.done $0x0  }
0xe4: {  	s14 =	simm.s32 $0x16200;
	[sflag:s19] =	ssyncadd.s32 $0xFFFFFF80  }
0xe5: {  	[tilespmem:s8], [sflag:$0x8] =	stream.indirect.gather [hbm4b:s1+s0], $0x80, s14, s0, $0xb8;
	[tilespmem:$0x1DE00] =	vst v63  }
0xe6: {  	_ =	swait.ge [sflag:s13], $0x2800  }
0xe7: {  	[sflag:s13] =	ssyncset.done $0x0  }
0xe8: {  	[sflag:s13] =	ssyncadd.s32 $0xFFFFD800  }
0xe9: {  	[spmem:s2] =	stream.indirect.scatter.add.f32 [tilespmem:s3], [sflag:$0xA], $0x80, s15, s0, $0xb8;
	[tilespmem:$0x1DE00] =	vst v63  }
0xea: {  	v1 =	vld [tilespmem:$0x16480];
	_ =	sdelay $0x4  }
0xeb: {  	(xrf1) =	vunique.msk.u32 $0xffff, v1;
	_ =	sdelay $0xd  }
0xec: {  	_, v2, vm0 =	vpop (xrf1);
	_ =	sdelay $0x5  }
0xed: {  	[tilespmem:v1+s11+$0x0] =	vst.idx.add.s32.msk vm0, v2  }
0xee: {  	v1 =	vld [tilespmem:$0x16490];
	_ =	sdelay $0x4  }
0xef: {  	(xrf1) =	vunique.msk.u32 $0xffff, v1;
	_ =	sdelay $0xd  }
0xf0: {  	_, v2, vm0 =	vpop (xrf1);
	_ =	sdelay $0x5  }
0xf1: {  	[tilespmem:v1+s11+$0x0] =	vst.idx.add.s32.msk vm0, v2  }
0xf2: {  	v1 =	vld [tilespmem:$0x164A0];
	_ =	sdelay $0x4  }
0xf3: {  	(xrf1) =	vunique.msk.u32 $0xffff, v1;
	_ =	sdelay $0xd  }
0xf4: {  	_, v2, vm0 =	vpop (xrf1);
	_ =	sdelay $0x5  }
0xf5: {  	[tilespmem:v1+s11+$0x0] =	vst.idx.add.s32.msk vm0, v2  }
0xf6: {  	v1 =	vld [tilespmem:$0x164B0];
	_ =	sdelay $0x4  }
0xf7: {  	(xrf1) =	vunique.msk.u32 $0xffff, v1;
	_ =	sdelay $0xd  }
0xf8: {  	_, v2, vm0 =	vpop (xrf1);
	_ =	sdelay $0x5  }
0xf9: {  	[tilespmem:v1+s11+$0x0] =	vst.idx.add.s32.msk vm0, v2  }
0xfa: {  	v1 =	vld [tilespmem:$0x164C0];
	_ =	sdelay $0x4  }
0xfb: {  	(xrf1) =	vunique.msk.u32 $0xffff, v1;
	_ =	sdelay $0xd  }
0xfc: {  	_, v2, vm0 =	vpop (xrf1);
	_ =	sdelay $0x3  }
0xfd: {  	s9 =	sadd.s32 @!p1 $0xFFFFFF00, s23  }
0xfe: {  	s14 =	sand.u32 @!p1 $0xFC00, s9  }
0xff: {  	s9 =	sand.u32 @!p1 $0x300, s9;
	s14 =	sadd.s32 @!p1 s12, s14;
	[tilespmem:v1+s11+$0x0] =	vst.idx.add.s32.msk vm0, v2  }
0x100: {  	s9 =	sor.u32 @!p1 s9, s14;
	_ =	swait.ge [sflag:s21], $0x2800  }
0x101: {  	s9 =	sshrl.u32 @!p1 s9, $0x3;
	[sflag:s21] =	ssyncset.done $0x0  }
0x102: {  	s26 =	simm.s32 @!p1 $0x16000;
	s14 =	sadd.s32 @!p1 s5, s9;
	[sflag:s21] =	ssyncadd.s32 $0xFFFFD800  }
0x103: {  	[tilespmem:s26], [sflag:$0x1] =	stream.linear.gather @!p1 [hbm4b:s14+s20], $0x80, $0x38;
	[tilespmem:$0x1DE00] =	vst v63  }
0x104: {  	s9 =	sadd.s32 @!p1 s6, s9;
	s14 =	simm.s32 @!p1 $0x16300  }
0x105: {  	[tilespmem:s14], [sflag:$0x1] =	stream.linear.gather @!p1 [hbm4b:s9+s20], $0x80, $0x38;
	[tilespmem:$0x1DE00] =	vst v63  }
0x106: {  	s9 =	simm.s32 @!p1 $0x6  }
0x107: {  	_ =	swait.ge @!p1 [sflag:s9], $0x80  }
0x108: {  	[sflag:s9] =	ssyncset.done @!p1 $0x0  }
0x109: {  	[sflag:s9] =	ssyncadd.s32 @!p1 $0xFFFFFF80  }
0x10a: {  	_ =	swait.ge @!p1 [sflag:s9], $0x80  }
0x10b: {  	[sflag:s9] =	ssyncset.done @!p1 $0x0  }
0x10c: {  	s14 =	simm.s32 @!p1 $0x1B600;
	[sflag:s9] =	ssyncadd.s32 @!p1 $0xFFFFFF80;
	s9 =	simm.s32 @!p1 $0x50  }
0x10d: {  	[tilespmem:s14], [sflag:$0x9] =	stream.indirect.gather @!p1 [hbm4b:s1+s9], $0x80, s25, s9, $0xb8;
	[tilespmem:$0x1DE00] =	vst v63  }
0x10e: {  	_ =	swait.ge [sflag:s22], $0x2800  }
0x10f: {  	[sflag:s22] =	ssyncset.done $0x0  }
0x110: {  	s26 =	simm.s32 $0x16500;
	[sflag:s22] =	ssyncadd.s32 $0xFFFFD800  }
0x111: {  	[spmem:s2] =	stream.indirect.scatter.add.f32 [tilespmem:s8], [sflag:$0xB], $0x80, s26, s0, $0xb8;
	[tilespmem:$0x1DE00] =	vst v63  }
0x112: {  	v1 =	vld [tilespmem:$0x16500];
	_ =	sdelay $0x4  }
0x113: {  	(xrf1) =	vunique.msk.u32 $0xffff, v1;
	_ =	sdelay $0xd  }
0x114: {  	_, v2, vm0 =	vpop (xrf1);
	_ =	sdelay $0x5  }
0x115: {  	[tilespmem:v1+s11+$0x0] =	vst.idx.add.s32.msk vm0, v2  }
0x116: {  	v1 =	vld [tilespmem:$0x16510];
	_ =	sdelay $0x4  }
0x117: {  	(xrf1) =	vunique.msk.u32 $0xffff, v1;
	_ =	sdelay $0xd  }
0x118: {  	_, v2, vm0 =	vpop (xrf1);
	_ =	sdelay $0x5  }
0x119: {  	[tilespmem:v1+s11+$0x0] =	vst.idx.add.s32.msk vm0, v2  }
0x11a: {  	v1 =	vld [tilespmem:$0x16520];
	_ =	sdelay $0x4  }
0x11b: {  	(xrf1) =	vunique.msk.u32 $0xffff, v1;
	_ =	sdelay $0xd  }
0x11c: {  	_, v2, vm0 =	vpop (xrf1);
	_ =	sdelay $0x5  }
0x11d: {  	[tilespmem:v1+s11+$0x0] =	vst.idx.add.s32.msk vm0, v2  }
0x11e: {  	v1 =	vld [tilespmem:$0x16530];
	_ =	sdelay $0x4  }
0x11f: {  	(xrf1) =	vunique.msk.u32 $0xffff, v1;
	_ =	sdelay $0xd  }
0x120: {  	_, v2, vm0 =	vpop (xrf1);
	_ =	sdelay $0x5  }
0x121: {  	[tilespmem:v1+s11+$0x0] =	vst.idx.add.s32.msk vm0, v2  }
0x122: {  	v1 =	vld [tilespmem:$0x16540];
	_ =	sdelay $0x4  }
0x123: {  	(xrf1) =	vunique.msk.u32 $0xffff, v1;
	_ =	sdelay $0xd  }
0x124: {  	_, v2, vm0 =	vpop (xrf1);
	_ =	sdelay $0x4  }
.Ltmp6:
0x125: {  	_ = 	snop;
	(pc) =	sbr.rel @p1 .LBB2_7-.Ltmp6, $4  }
0x126: {  	[tilespmem:v1+s11+$0x0] =	vst.idx.add.s32.msk vm0, v2  }
0x127: {  	_ =	swait.ge [sflag:s28], $0x2800  }
0x128: {  	[sflag:s28] =	ssyncset.done $0x0  }
0x129: {  	[sflag:s28] =	ssyncadd.s32 $0xFFFFD800  }
0x12a: {  	s9 =	sadd.s32 $0xFFFFFF80, s23  }
0x12b: {  	s14 =	sand.u32 $0xFC00, s9  }
0x12c: {  	s9 =	sand.u32 $0x380, s9;
	s14 =	sadd.s32 s12, s14  }
0x12d: {  	s9 =	sor.u32 s9, s14  }
0x12e: {  	s9 =	sshrl.u32 s9, $0x3  }
0x12f: {  	s20 =	simm.s32 $0x16080;
	s25 =	sadd.s32 s5, s9  }
0x130: {  	[tilespmem:s20], [sflag:$0x2] =	stream.linear.gather [hbm4b:s25+s4], $0x80, $0x38;
	[tilespmem:$0x1DE00] =	vst v63  }
0x131: {  	s26 =	simm.s32 $0x16380;
	s9 =	sadd.s32 s6, s9  }
0x132: {  	[tilespmem:s26], [sflag:$0x2] =	stream.linear.gather [hbm4b:s9+s4], $0x80, $0x38;
	[tilespmem:$0x1DE00] =	vst v63  }
0x133: {  	_ =	swait.ge [sflag:s31], $0x80  }
0x134: {  	[sflag:s31] =	ssyncset.done $0x0  }
0x135: {  	[sflag:s31] =	ssyncadd.s32 $0xFFFFFF80  }
0x136: {  	_ =	swait.ge [sflag:s31], $0x80  }
0x137: {  	[sflag:s31] =	ssyncset.done $0x0  }
0x138: {  	s14 =	simm.s32 $0x16000;
	[sflag:s31] =	ssyncadd.s32 $0xFFFFFF80  }
0x139: {  	[tilespmem:s3], [sflag:$0x7] =	stream.indirect.gather [hbm4b:s1+s0], $0x80, s14, s0, $0xb8;
	[tilespmem:$0x1DE00] =	vst v63  }
0x13a: {  	_ =	swait.ge [sflag:s18], $0x2800  }
0x13b: {  	[sflag:s18] =	ssyncset.done $0x0  }
0x13c: {  	s25 =	simm.s32 $0x16580;
	[sflag:s18] =	ssyncadd.s32 $0xFFFFD800  }
0x13d: {  	[spmem:s2] =	stream.indirect.scatter.add.f32 [tilespmem:s17], [sflag:$0xC], $0x80, s25, s0, $0xb8;
	[tilespmem:$0x1DE00] =	vst v63  }
0x13e: {  	v1 =	vld [tilespmem:$0x16580];
	_ =	sdelay $0x4  }
0x13f: {  	(xrf1) =	vunique.msk.u32 $0xffff, v1;
	_ =	sdelay $0xd  }
0x140: {  	_, v2, vm0 =	vpop (xrf1);
	_ =	sdelay $0x5  }
0x141: {  	[tilespmem:v1+s11+$0x0] =	vst.idx.add.s32.msk vm0, v2  }
0x142: {  	v1 =	vld [tilespmem:$0x16590];
	_ =	sdelay $0x4  }
0x143: {  	(xrf1) =	vunique.msk.u32 $0xffff, v1;
	_ =	sdelay $0xd  }
0x144: {  	_, v2, vm0 =	vpop (xrf1);
	_ =	sdelay $0x5  }
0x145: {  	[tilespmem:v1+s11+$0x0] =	vst.idx.add.s32.msk vm0, v2  }
0x146: {  	v1 =	vld [tilespmem:$0x165A0];
	_ =	sdelay $0x4  }
0x147: {  	(xrf1) =	vunique.msk.u32 $0xffff, v1;
	_ =	sdelay $0xd  }
0x148: {  	_, v2, vm0 =	vpop (xrf1);
	_ =	sdelay $0x5  }
0x149: {  	[tilespmem:v1+s11+$0x0] =	vst.idx.add.s32.msk vm0, v2  }
0x14a: {  	v1 =	vld [tilespmem:$0x165B0];
	_ =	sdelay $0x4  }
0x14b: {  	(xrf1) =	vunique.msk.u32 $0xffff, v1;
	_ =	sdelay $0xd  }
0x14c: {  	_, v2, vm0 =	vpop (xrf1);
	_ =	sdelay $0x5  }
0x14d: {  	[tilespmem:v1+s11+$0x0] =	vst.idx.add.s32.msk vm0, v2  }
0x14e: {  	v1 =	vld [tilespmem:$0x165C0];
	_ =	sdelay $0x4  }
0x14f: {  	(xrf1) =	vunique.msk.u32 $0xffff, v1;
	_ =	sdelay $0xd  }
0x150: {  	_, v2, vm0 =	vpop (xrf1);
	_ =	sdelay $0x4  }
0x151: {  	s26 =	sadd.s32 $0xFFFFFC00, s23;
	s25 =	sand.u32 $0xFC00, s23  }
0x152: {  	s9 =	sand.u32 $0x300, s26;
	s14 =	sadd.s32 s12, s25;
	[tilespmem:v1+s11+$0x0] =	vst.idx.add.s32.msk vm0, v2  }
0x153: {  	s9 =	sor.u32 s9, s14;
	_ =	swait.ge [sflag:s10], $0x2800  }
0x154: {  	s9 =	sshrl.u32 s9, $0x3;
	[sflag:s10] =	ssyncset.done $0x0  }
0x155: {  	s26 =	sadd.s32 s5, s9;
	[sflag:s10] =	ssyncadd.s32 $0xFFFFD800  }
0x156: {  	[tilespmem:s29], [sflag:$0x3] =	stream.linear.gather [hbm4b:s26+s4], $0x80, $0x38;
	[tilespmem:$0x1DE00] =	vst v63  }
0x157: {  	s9 =	sadd.s32 s6, s9  }
0x158: {  	[tilespmem:s30], [sflag:$0x3] =	stream.linear.gather [hbm4b:s9+s4], $0x80, $0x38;
	[tilespmem:$0x1DE00] =	vst v63  }
0x159: {  	_ =	swait.ge [sflag:s7], $0x80  }
0x15a: {  	[sflag:s7] =	ssyncset.done $0x0  }
.Ltmp7:
0x15b: {  	[sflag:s7] =	ssyncadd.s32 $0xFFFFFF80;
	(pc) =	sbr.rel .LBB2_7-.Ltmp7, $4  }
0x15c: {  	_ =	swait.ge [sflag:s7], $0x80  }
0x15d: {  	[sflag:s7] =	ssyncset.done $0x0  }
0x15e: {  	[sflag:s7] =	ssyncadd.s32 $0xFFFFFF80  }
0x15f: {  	[tilespmem:s8], [sflag:$0x8] =	stream.indirect.gather [hbm4b:s1+s0], $0x80, s20, s0, $0xb8;
	[tilespmem:$0x1DE00] =	vst v63  }
.LBB2_9:
0x160: {  	_ =	sfence.sel $0x180000  }
0x161: {  	[bflag:$0x0] =	sbarrier.arrive $0xFFFF  }
0x162: {  	_ =	strace $0x90000047  }
0x163: {  	s0 =	stileid.u32;
	[bflag:$0x2] =	sbarrier.arrive $0xFFFF  }
0x164: {  	p0 =	sne.s32 s0, $0x0;
	s0 =	rddreg [dreg:$0x3]  }
0x165: {  	s0 =	sadd.s32 @!p0 $0x100000, s0  }
0x166: {  	[sflag:s0] =	ssyncadd.tile.s32 @!p0 $0x1;
	_ =	shalt  }
.Lfunc_end2:
_tile_overlayer_lowered:
.L_overlay_start_2:
0x167: {  	(tag) =	ssettag $0x2  }
0x168: {  	s0 =	rddreg [dreg:$0x0];
	s2 =	stileid.u32  }
0x169: {  	s1 =	rddreg [dreg:$0x1];
	p0 =	sne.s32 s2, $0x0  }
0x16a: {  	s3 =	rddreg [dreg:$0x2];
	[bflag:$0x3] =	sbarrier.arrive $0xFFFF;
	s2 =	simm.s32 @!p0 $0x1C0D  }
0x16b: {  	[timem:s3], [sflag:s2] =	dma.local @!p0 [hbm:s0], s1  }
0x16c: {  	s0 =	simm.s32 @!p0 $0xD  }
0x16d: {  	_ =	swait.ge @!p0 [sflag:s0], s1  }
0x16e: {  	s1 =	ssub.s32 @!p0 $0x0, s1;
	[sflag:s0] =	ssyncset.done @!p0 $0x0  }
0x16f: {  	[sflag:s0] =	ssyncadd.s32 @!p0 s1  }
0x170: {  	[bflag:$0x3] =	sbarrier.arrive $0xFFFF  }
0x171: {  	_ =	shalt  }

</sc_bundles>
